<compile_context>
chip_gen: v7x
topology: tpu7x:2x2x1
jax: 0.10.2.dev20260603
libtpu: 0.0.44.dev20260713+nightly
codegen_flags: <defaults>
</compile_context>

<pallas_src>
import functools
import math

import jax
import jax.numpy as jnp
from jax import lax
from jax.experimental import pallas as pl
from jax.experimental.pallas import tpu as pltpu

IMG_W, IMG_H = 1024, 1024
PRE_N = 2000
POST_N = 500
NMS_T = 0.7
MIN_SIZE = 0
BBOX_CLIP = math.log(1000.0 / 16)

NPAD = 2048
BLK = 128
NBLK = NPAD // BLK


def _decode_kernel(anc_ref, reg_ref, sc_ref, props_ref, scm_ref):
    x1a = anc_ref[0:1, :]
    y1a = anc_ref[1:2, :]
    x2a = anc_ref[2:3, :]
    y2a = anc_ref[3:4, :]
    widths = x2a - x1a + 1.0
    heights = y2a - y1a + 1.0
    ctr_x = x1a + 0.5 * widths
    ctr_y = y1a + 0.5 * heights
    dx = reg_ref[0:1, :]
    dy = reg_ref[1:2, :]
    dw = jnp.minimum(reg_ref[2:3, :], BBOX_CLIP)
    dh = jnp.minimum(reg_ref[3:4, :], BBOX_CLIP)
    pred_ctr_x = dx * widths + ctr_x
    pred_ctr_y = dy * heights + ctr_y
    pred_w = jnp.exp(dw) * widths
    pred_h = jnp.exp(dh) * heights
    x1 = jnp.clip(pred_ctr_x - 0.5 * pred_w, 0.0, IMG_W - 1.0)
    y1 = jnp.clip(pred_ctr_y - 0.5 * pred_h, 0.0, IMG_H - 1.0)
    x2 = jnp.clip(pred_ctr_x + 0.5 * pred_w - 1.0, 0.0, IMG_W - 1.0)
    y2 = jnp.clip(pred_ctr_y + 0.5 * pred_h - 1.0, 0.0, IMG_H - 1.0)
    props_ref[0:1, :] = x1
    props_ref[1:2, :] = y1
    props_ref[2:3, :] = x2
    props_ref[3:4, :] = y2
    ws = x2 - x1 + 1.0
    hs = y2 - y1 + 1.0
    keep = (ws >= MIN_SIZE) & (hs >= MIN_SIZE)
    scm_ref[...] = jnp.where(keep, sc_ref[...], -jnp.inf)


def _nms_kernel(pt_ref, pb_ref, sc_ref, out_ref, ov_ref):
    scores = sc_ref[...]
    cx1 = pt_ref[0:1, :]
    cy1 = pt_ref[1:2, :]
    cx2 = pt_ref[2:3, :]
    cy2 = pt_ref[3:4, :]
    careas = (jnp.maximum(cx2 - cx1 + 1.0, 0.0) *
              jnp.maximum(cy2 - cy1 + 1.0, 0.0))

    for k in range(NBLK):
        s = k * BLK
        bx1 = pb_ref[pl.ds(s, BLK), 0:1]
        by1 = pb_ref[pl.ds(s, BLK), 1:2]
        bx2 = pb_ref[pl.ds(s, BLK), 2:3]
        by2 = pb_ref[pl.ds(s, BLK), 3:4]
        bareas = (jnp.maximum(bx2 - bx1 + 1.0, 0.0) *
                  jnp.maximum(by2 - by1 + 1.0, 0.0))
        xx1 = jnp.maximum(bx1, cx1)
        yy1 = jnp.maximum(by1, cy1)
        xx2 = jnp.minimum(bx2, cx2)
        yy2 = jnp.minimum(by2, cy2)
        w = jnp.maximum(xx2 - xx1 + 1.0, 0.0)
        h = jnp.maximum(yy2 - yy1 + 1.0, 0.0)
        inter = w * h
        iou = inter / (bareas + careas - inter + 1e-9)
        rowid = lax.broadcasted_iota(jnp.int32, (BLK, NPAD), 0) + s
        colid = lax.broadcasted_iota(jnp.int32, (BLK, NPAD), 1)
        over = (iou > NMS_T) & (colid > rowid)
        ov_ref[pl.ds(s, BLK), :] = over.astype(jnp.bfloat16)

    valid = (scores > -jnp.inf).astype(jnp.float32)

    def alive_sup(v):
        return jnp.dot(v.astype(jnp.bfloat16), ov_ref[...],
                       preferred_element_type=jnp.float32)

    def cond(state):
        act, _ = state
        return jnp.sum(act) > 0.0

    def body(state):
        act, kept = state
        sup_alive = alive_sup(act + kept)
        safe = act * (sup_alive == 0.0)
        kept = kept + safe
        supp = alive_sup(kept) > 0.0
        act = jnp.where(supp, 0.0, act * (1.0 - safe))
        return act, kept

    _, kept = lax.while_loop(cond, body, (valid, jnp.zeros_like(valid)))
    out_ref[...] = jnp.where(kept > 0.0, scores, -jnp.inf)


def _decode_call(anc_t, reg_t, scores_p):
    n = anc_t.shape[0]
    return pl.pallas_call(
        _decode_kernel,
        grid=(n,),
        in_specs=[
            pl.BlockSpec((None, 4, NPAD), lambda b: (b, 0, 0)),
            pl.BlockSpec((None, 4, NPAD), lambda b: (b, 0, 0)),
            pl.BlockSpec((None, 1, NPAD), lambda b: (b, 0, 0)),
        ],
        out_specs=[
            pl.BlockSpec((None, 4, NPAD), lambda b: (b, 0, 0)),
            pl.BlockSpec((None, 1, NPAD), lambda b: (b, 0, 0)),
        ],
        out_shape=[
            jax.ShapeDtypeStruct((n, 4, NPAD), jnp.float32),
            jax.ShapeDtypeStruct((n, 1, NPAD), jnp.float32),
        ],
    )(anc_t, reg_t, scores_p)


def _nms_call(props_t, props_b, scores_m):
    n = props_t.shape[0]
    return pl.pallas_call(
        _nms_kernel,
        grid=(n,),
        in_specs=[
            pl.BlockSpec((None, 4, NPAD), lambda b: (b, 0, 0)),
            pl.BlockSpec((None, NPAD, 4), lambda b: (b, 0, 0)),
            pl.BlockSpec((None, 1, NPAD), lambda b: (b, 0, 0)),
        ],
        out_specs=pl.BlockSpec((None, 1, NPAD), lambda b: (b, 0, 0)),
        out_shape=jax.ShapeDtypeStruct((n, 1, NPAD), jnp.float32),
        scratch_shapes=[pltpu.VMEM((NPAD, NPAD), jnp.bfloat16)],
    )(props_t, props_b, scores_m)


def kernel(anchors, objectness, box_regression):
    N, A, H, W = objectness.shape
    obj = objectness.reshape(N, A, 1, H, W)
    obj = jnp.transpose(obj, (0, 3, 4, 1, 2)).reshape(N, -1)
    obj = jax.nn.sigmoid(obj)
    reg = box_regression.reshape(N, A, 4, H, W)
    reg = jnp.transpose(reg, (0, 3, 4, 1, 2)).reshape(N, -1, 4)

    topk_scores, topk_idx = lax.top_k(obj, PRE_N)
    pad = NPAD - PRE_N
    scores_p = jnp.pad(topk_scores, ((0, 0), (0, pad)),
                       constant_values=-jnp.inf)[:, None, :]
    idx_p = jnp.pad(topk_idx, ((0, 0), (0, pad)))

    anc_g = anchors[idx_p]
    reg_g = jnp.take_along_axis(reg, idx_p[..., None], axis=1)

    anc_t = jnp.transpose(anc_g, (0, 2, 1))
    reg_t = jnp.transpose(reg_g, (0, 2, 1))
    props_t, scores_m = _decode_call(anc_t, reg_t, scores_p)
    props_b = jnp.transpose(props_t, (0, 2, 1))

    nms_scores = _nms_call(props_t, props_b, scores_m)[:, 0, :PRE_N]

    final_scores, final_idx = lax.top_k(nms_scores, POST_N)
    final_boxes = jnp.take_along_axis(props_b[:, :PRE_N],
                                      final_idx[..., None], axis=1)
    return final_boxes, final_scores

# --- scband reference (transcript-rebuilt; emitter-appended) ---
"""Pipeline reference for scband-rpninference-82394652607038 (READ-ONLY COPY).

The authoritative reference and input builder live on the scoring server;
editing this copy changes nothing except your own understanding.
"""

import jax, jax.numpy as jnp
import numpy as np
import math

IMG_W, IMG_H = 1024, 1024
PRE_NMS_TOP_N = 2000
POST_NMS_TOP_N = 500
NMS_THRESH = 0.7
MIN_SIZE = 0
BBOX_XFORM_CLIP = math.log(1000.0 / 16)


def setup_inputs(seed: int = 0):
    key = jax.random.key(seed)
    k1, k2, k3, k4 = jax.random.split(key, 4)
    N, A, H, W = 2, 3, 64, 64
    num_anchors = A * H * W
    ctr = jax.random.uniform(k1, (num_anchors, 2), minval=0.0, maxval=1024.0)
    wh = jax.random.uniform(k2, (num_anchors, 2), minval=16.0, maxval=256.0)
    anchors = jnp.concatenate([ctr - 0.5 * wh, ctr + 0.5 * wh], axis=1).astype(jnp.float32)
    objectness = jax.random.normal(k3, (N, A, H, W), dtype=jnp.float32)
    box_regression = jax.random.normal(k4, (N, A * 4, H, W), dtype=jnp.float32) * 0.5
    return {"anchors": anchors, "objectness": objectness, "box_regression": box_regression}


def permute_and_flatten(layer, N, A, C, H, W):
    layer = layer.reshape(N, A, C, H, W)
    layer = jnp.transpose(layer, (0, 3, 4, 1, 2))
    return layer.reshape(N, -1, C)


def decode(rel_codes, boxes):
    # BoxCoder(weights=(1,1,1,1)).decode from maskrcnn-benchmark
    widths = boxes[:, 2] - boxes[:, 0] + 1.0
    heights = boxes[:, 3] - boxes[:, 1] + 1.0
    ctr_x = boxes[:, 0] + 0.5 * widths
    ctr_y = boxes[:, 1] + 0.5 * heights
    dx = rel_codes[:, 0]
    dy = rel_codes[:, 1]
    dw = jnp.minimum(rel_codes[:, 2], BBOX_XFORM_CLIP)
    dh = jnp.minimum(rel_codes[:, 3], BBOX_XFORM_CLIP)
    pred_ctr_x = dx * widths + ctr_x
    pred_ctr_y = dy * heights + ctr_y
    pred_w = jnp.exp(dw) * widths
    pred_h = jnp.exp(dh) * heights
    x1 = pred_ctr_x - 0.5 * pred_w
    y1 = pred_ctr_y - 0.5 * pred_h
    x2 = pred_ctr_x + 0.5 * pred_w - 1.0
    y2 = pred_ctr_y + 0.5 * pred_h - 1.0
    return jnp.stack([x1, y1, x2, y2], axis=1)


def nms_single(boxes, scores):
    # boxes [n,4] sorted by score desc; returns scores with suppressed entries = -inf
    n = boxes.shape[0]
    x1, y1, x2, y2 = boxes[:, 0], boxes[:, 1], boxes[:, 2], boxes[:, 3]
    areas = jnp.maximum(x2 - x1 + 1.0, 0.0) * jnp.maximum(y2 - y1 + 1.0, 0.0)
    xx1 = jnp.maximum(x1[:, None], x1[None, :])
    yy1 = jnp.maximum(y1[:, None], y1[None, :])
    xx2 = jnp.minimum(x2[:, None], x2[None, :])
    yy2 = jnp.minimum(y2[:, None], y2[None, :])
    w = jnp.maximum(xx2 - xx1 + 1.0, 0.0)
    h = jnp.maximum(yy2 - yy1 + 1.0, 0.0)
    inter = w * h
    iou = inter / (areas[:, None] + areas[None, :] - inter + 1e-9)
    idx = jnp.arange(n)
    valid = jnp.isfinite(scores)

    def body(i, keep):
        sup = (iou[i] > NMS_THRESH) & (idx > i) & keep[i]
        return keep & (~sup)

    keep = jax.lax.stop_gradient(jax.lax.fori_loop(0, n, body, valid))
    return jnp.where(keep, scores, -jnp.inf)


def reference(anchors, objectness, box_regression):
    N, A, H, W = objectness.shape
    obj = permute_and_flatten(objectness, N, A, 1, H, W).reshape(N, -1)
    obj = jax.nn.sigmoid(obj)
    reg = permute_and_flatten(box_regression, N, A, 4, H, W)
    anchors_b = jnp.broadcast_to(anchors[None], (N,) + anchors.shape)
    proposals = decode(reg.reshape(-1, 4), anchors_b.reshape(-1, 4)).reshape(N, -1, 4)
    pre_n = min(PRE_NMS_TOP_N, obj.shape[1])
    topk_scores, topk_idx = jax.lax.top_k(obj, pre_n)
    batch_idx = jnp.arange(N)[:, None]
    props = proposals[batch_idx, topk_idx]
    # clip_to_image(remove_empty=False)
    x1 = jnp.clip(props[..., 0], 0.0, IMG_W - 1.0)
    y1 = jnp.clip(props[..., 1], 0.0, IMG_H - 1.0)
    x2 = jnp.clip(props[..., 2], 0.0, IMG_W - 1.0)
    y2 = jnp.clip(props[..., 3], 0.0, IMG_H - 1.0)
    props = jnp.stack([x1, y1, x2, y2], axis=-1)
    # remove_small_boxes via score masking (static shapes)
    ws = props[..., 2] - props[..., 0] + 1.0
    hs = props[..., 3] - props[..., 1] + 1.0
    keep_small = (ws >= MIN_SIZE) & (hs >= MIN_SIZE)
    scores = jnp.where(keep_small, topk_scores, -jnp.inf)
    nms_scores = jax.vmap(nms_single)(props, scores)
    post_n = min(POST_NMS_TOP_N, pre_n)
    final_scores, final_idx = jax.lax.top_k(nms_scores, post_n)
    final_boxes = jnp.take_along_axis(props, final_idx[..., None], axis=1)
    return final_boxes, final_scores

if __name__ == "__main__":
    import jax
    _d = setup_inputs()
    print(jax.jit(kernel)(*tuple(_d.values())))

</pallas_src>

<mosaic_0001>
module attributes {stable_mosaic.version = 14 : i64} {
  func.func @_decode_kernel(%arg0: i32, %arg1: memref<1x4x2048xf32, #tpu.memory_space<vmem>>, %arg2: memref<1x4x2048xf32, #tpu.memory_space<vmem>>, %arg3: memref<1x1x2048xf32, #tpu.memory_space<vmem>>, %arg4: memref<1x4x2048xf32, #tpu.memory_space<vmem>>, %arg5: memref<1x1x2048xf32, #tpu.memory_space<vmem>>) attributes {dimension_semantics = [#tpu.dimension_semantics<arbitrary>], iteration_bounds = array<i64: 2>, scalar_prefetch = 0 : i64, scratch_operands = 0 : i64, tpu.core_type = #tpu.core_type<tc>, window_params = [{transform_indices = @transform_0, window_bounds = array<i64: 1, 4, 2048>}, {transform_indices = @transform_1, window_bounds = array<i64: 1, 4, 2048>}, {transform_indices = @transform_2, window_bounds = array<i64: 1, 1, 2048>}, {transform_indices = @transform_3, window_bounds = array<i64: 1, 4, 2048>}, {transform_indices = @transform_4, window_bounds = array<i64: 1, 1, 2048>}]} {
    %get3A = arith.constant 0 : index
    %get3A_0 = arith.constant 0 : index
    %get3A_1 = arith.constant 0 : index
    %get3A_2 = vector.load %arg1[%get3A, %get3A_0, %get3A_1] : memref<1x4x2048xf32, #tpu.memory_space<vmem>>, vector<1x1x2048xf32>
    %get3A_3 = vector.shape_cast %get3A_2 : vector<1x1x2048xf32> to vector<1x2048xf32>
    %get3A_4 = arith.constant 0 : index
    %get3A_5 = arith.constant 1 : index
    %get3A_6 = arith.constant 0 : index
    %get3A_7 = vector.load %arg1[%get3A_4, %get3A_5, %get3A_6] : memref<1x4x2048xf32, #tpu.memory_space<vmem>>, vector<1x1x2048xf32>
    %get3A_8 = vector.shape_cast %get3A_7 : vector<1x1x2048xf32> to vector<1x2048xf32>
    %get3A_9 = arith.constant 0 : index
    %get3A_10 = arith.constant 2 : index
    %get3A_11 = arith.constant 0 : index
    %get3A_12 = vector.load %arg1[%get3A_9, %get3A_10, %get3A_11] : memref<1x4x2048xf32, #tpu.memory_space<vmem>>, vector<1x1x2048xf32>
    %get3A_13 = vector.shape_cast %get3A_12 : vector<1x1x2048xf32> to vector<1x2048xf32>
    %get3A_14 = arith.constant 0 : index
    %get3A_15 = arith.constant 3 : index
    %get3A_16 = arith.constant 0 : index
    %get3A_17 = vector.load %arg1[%get3A_14, %get3A_15, %get3A_16] : memref<1x4x2048xf32, #tpu.memory_space<vmem>>, vector<1x1x2048xf32>
    %get3A_18 = vector.shape_cast %get3A_17 : vector<1x1x2048xf32> to vector<1x2048xf32>
    %sub3A = arith.subf %get3A_13, %get3A_3 : vector<1x2048xf32>
    %add3A = arith.constant 1.000000e+00 : f32
    %add3A_19 = vector.broadcast %add3A : f32 to vector<1x2048xf32>
    %add3A_20 = arith.addf %sub3A, %add3A_19 : vector<1x2048xf32>
    %sub3A_21 = arith.subf %get3A_18, %get3A_8 : vector<1x2048xf32>
    %add3A_22 = arith.constant 1.000000e+00 : f32
    %add3A_23 = vector.broadcast %add3A_22 : f32 to vector<1x2048xf32>
    %add3A_24 = arith.addf %sub3A_21, %add3A_23 : vector<1x2048xf32>
    %mul3A = arith.constant 5.000000e-01 : f32
    %mul3A_25 = vector.broadcast %mul3A : f32 to vector<1x2048xf32>
    %mul3A_26 = arith.mulf %mul3A_25, %add3A_20 : vector<1x2048xf32>
    %add3A_27 = arith.addf %get3A_3, %mul3A_26 : vector<1x2048xf32>
    %mul3A_28 = arith.constant 5.000000e-01 : f32
    %mul3A_29 = vector.broadcast %mul3A_28 : f32 to vector<1x2048xf32>
    %mul3A_30 = arith.mulf %mul3A_29, %add3A_24 : vector<1x2048xf32>
    %add3A_31 = arith.addf %get3A_8, %mul3A_30 : vector<1x2048xf32>
    %get3A_32 = arith.constant 0 : index
    %get3A_33 = arith.constant 0 : index
    %get3A_34 = arith.constant 0 : index
    %get3A_35 = vector.load %arg2[%get3A_32, %get3A_33, %get3A_34] : memref<1x4x2048xf32, #tpu.memory_space<vmem>>, vector<1x1x2048xf32>
    %get3A_36 = vector.shape_cast %get3A_35 : vector<1x1x2048xf32> to vector<1x2048xf32>
    %get3A_37 = arith.constant 0 : index
    %get3A_38 = arith.constant 1 : index
    %get3A_39 = arith.constant 0 : index
    %get3A_40 = vector.load %arg2[%get3A_37, %get3A_38, %get3A_39] : memref<1x4x2048xf32, #tpu.memory_space<vmem>>, vector<1x1x2048xf32>
    %get3A_41 = vector.shape_cast %get3A_40 : vector<1x1x2048xf32> to vector<1x2048xf32>
    %get3A_42 = arith.constant 0 : index
    %get3A_43 = arith.constant 2 : index
    %get3A_44 = arith.constant 0 : index
    %get3A_45 = vector.load %arg2[%get3A_42, %get3A_43, %get3A_44] : memref<1x4x2048xf32, #tpu.memory_space<vmem>>, vector<1x1x2048xf32>
    %get3A_46 = vector.shape_cast %get3A_45 : vector<1x1x2048xf32> to vector<1x2048xf32>
    %min3A = arith.constant 4.13516665 : f32
    %min3A_47 = vector.broadcast %min3A : f32 to vector<1x2048xf32>
    %min3A_48 = arith.minimumf %get3A_46, %min3A_47 : vector<1x2048xf32>
    %get3A_49 = arith.constant 0 : index
    %get3A_50 = arith.constant 3 : index
    %get3A_51 = arith.constant 0 : index
    %get3A_52 = vector.load %arg2[%get3A_49, %get3A_50, %get3A_51] : memref<1x4x2048xf32, #tpu.memory_space<vmem>>, vector<1x1x2048xf32>
    %get3A_53 = vector.shape_cast %get3A_52 : vector<1x1x2048xf32> to vector<1x2048xf32>
    %min3A_54 = arith.constant 4.13516665 : f32
    %min3A_55 = vector.broadcast %min3A_54 : f32 to vector<1x2048xf32>
    %min3A_56 = arith.minimumf %get3A_53, %min3A_55 : vector<1x2048xf32>
    %mul3A_57 = arith.mulf %get3A_36, %add3A_20 : vector<1x2048xf32>
    %add3A_58 = arith.addf %mul3A_57, %add3A_27 : vector<1x2048xf32>
    %mul3A_59 = arith.mulf %get3A_41, %add3A_24 : vector<1x2048xf32>
    %add3A_60 = arith.addf %mul3A_59, %add3A_31 : vector<1x2048xf32>
    %exp3A = math.exp %min3A_48 : vector<1x2048xf32>
    %mul3A_61 = arith.mulf %exp3A, %add3A_20 : vector<1x2048xf32>
    %exp3A_62 = math.exp %min3A_56 : vector<1x2048xf32>
    %mul3A_63 = arith.mulf %exp3A_62, %add3A_24 : vector<1x2048xf32>
    %mul3A_64 = arith.constant 5.000000e-01 : f32
    %mul3A_65 = vector.broadcast %mul3A_64 : f32 to vector<1x2048xf32>
    %mul3A_66 = arith.mulf %mul3A_65, %mul3A_61 : vector<1x2048xf32>
    %sub3A_67 = arith.subf %add3A_58, %mul3A_66 : vector<1x2048xf32>
    %jit3A = arith.constant 0.000000e+00 : f32
    %jit3A_68 = arith.constant 1.023000e+03 : f32
    %max3A = vector.broadcast %jit3A : f32 to vector<1x2048xf32>
    %max3A_69 = arith.maximumf %max3A, %sub3A_67 : vector<1x2048xf32>
    %min3A_70 = vector.broadcast %jit3A_68 : f32 to vector<1x2048xf32>
    %min3A_71 = arith.minimumf %min3A_70, %max3A_69 : vector<1x2048xf32>
    %mul3A_72 = arith.constant 5.000000e-01 : f32
    %mul3A_73 = vector.broadcast %mul3A_72 : f32 to vector<1x2048xf32>
    %mul3A_74 = arith.mulf %mul3A_73, %mul3A_63 : vector<1x2048xf32>
    %sub3A_75 = arith.subf %add3A_60, %mul3A_74 : vector<1x2048xf32>
    %jit3A_76 = arith.constant 0.000000e+00 : f32
    %jit3A_77 = arith.constant 1.023000e+03 : f32
    %max3A_78 = vector.broadcast %jit3A_76 : f32 to vector<1x2048xf32>
    %max3A_79 = arith.maximumf %max3A_78, %sub3A_75 : vector<1x2048xf32>
    %min3A_80 = vector.broadcast %jit3A_77 : f32 to vector<1x2048xf32>
    %min3A_81 = arith.minimumf %min3A_80, %max3A_79 : vector<1x2048xf32>
    %mul3A_82 = arith.constant 5.000000e-01 : f32
    %mul3A_83 = vector.broadcast %mul3A_82 : f32 to vector<1x2048xf32>
    %mul3A_84 = arith.mulf %mul3A_83, %mul3A_61 : vector<1x2048xf32>
    %add3A_85 = arith.addf %add3A_58, %mul3A_84 : vector<1x2048xf32>
    %sub3A_86 = arith.constant 1.000000e+00 : f32
    %sub3A_87 = vector.broadcast %sub3A_86 : f32 to vector<1x2048xf32>
    %sub3A_88 = arith.subf %add3A_85, %sub3A_87 : vector<1x2048xf32>
    %jit3A_89 = arith.constant 0.000000e+00 : f32
    %jit3A_90 = arith.constant 1.023000e+03 : f32
    %max3A_91 = vector.broadcast %jit3A_89 : f32 to vector<1x2048xf32>
    %max3A_92 = arith.maximumf %max3A_91, %sub3A_88 : vector<1x2048xf32>
    %min3A_93 = vector.broadcast %jit3A_90 : f32 to vector<1x2048xf32>
    %min3A_94 = arith.minimumf %min3A_93, %max3A_92 : vector<1x2048xf32>
    %mul3A_95 = arith.constant 5.000000e-01 : f32
    %mul3A_96 = vector.broadcast %mul3A_95 : f32 to vector<1x2048xf32>
    %mul3A_97 = arith.mulf %mul3A_96, %mul3A_63 : vector<1x2048xf32>
    %add3A_98 = arith.addf %add3A_60, %mul3A_97 : vector<1x2048xf32>
    %sub3A_99 = arith.constant 1.000000e+00 : f32
    %sub3A_100 = vector.broadcast %sub3A_99 : f32 to vector<1x2048xf32>
    %sub3A_101 = arith.subf %add3A_98, %sub3A_100 : vector<1x2048xf32>
    %jit3A_102 = arith.constant 0.000000e+00 : f32
    %jit3A_103 = arith.constant 1.023000e+03 : f32
    %max3A_104 = vector.broadcast %jit3A_102 : f32 to vector<1x2048xf32>
    %max3A_105 = arith.maximumf %max3A_104, %sub3A_101 : vector<1x2048xf32>
    %min3A_106 = vector.broadcast %jit3A_103 : f32 to vector<1x2048xf32>
    %min3A_107 = arith.minimumf %min3A_106, %max3A_105 : vector<1x2048xf32>
    %swap3A = arith.constant 0 : index
    %swap3A_108 = arith.constant 0 : index
    %swap3A_109 = arith.constant 0 : index
    %swap3A_110 = vector.load %arg4[%swap3A, %swap3A_108, %swap3A_109] : memref<1x4x2048xf32, #tpu.memory_space<vmem>>, vector<1x1x2048xf32>
    %swap3A_111 = vector.shape_cast %swap3A_110 : vector<1x1x2048xf32> to vector<1x2048xf32>
    %swap3A_112 = vector.shape_cast %min3A_71 : vector<1x2048xf32> to vector<1x1x2048xf32>
    tpu.vector_store %arg4[%swap3A, %swap3A_108, %swap3A_109], %swap3A_112 {strides = array<i32>} : memref<1x4x2048xf32, #tpu.memory_space<vmem>>, vector<1x1x2048xf32>,
    %swap3A_113 = arith.constant 0 : index
    %swap3A_114 = arith.constant 1 : index
    %swap3A_115 = arith.constant 0 : index
    %swap3A_116 = vector.load %arg4[%swap3A_113, %swap3A_114, %swap3A_115] : memref<1x4x2048xf32, #tpu.memory_space<vmem>>, vector<1x1x2048xf32>
    %swap3A_117 = vector.shape_cast %swap3A_116 : vector<1x1x2048xf32> to vector<1x2048xf32>
    %swap3A_118 = vector.shape_cast %min3A_81 : vector<1x2048xf32> to vector<1x1x2048xf32>
    tpu.vector_store %arg4[%swap3A_113, %swap3A_114, %swap3A_115], %swap3A_118 {strides = array<i32>} : memref<1x4x2048xf32, #tpu.memory_space<vmem>>, vector<1x1x2048xf32>,
    %swap3A_119 = arith.constant 0 : index
    %swap3A_120 = arith.constant 2 : index
    %swap3A_121 = arith.constant 0 : index
    %swap3A_122 = vector.load %arg4[%swap3A_119, %swap3A_120, %swap3A_121] : memref<1x4x2048xf32, #tpu.memory_space<vmem>>, vector<1x1x2048xf32>
    %swap3A_123 = vector.shape_cast %swap3A_122 : vector<1x1x2048xf32> to vector<1x2048xf32>
    %swap3A_124 = vector.shape_cast %min3A_94 : vector<1x2048xf32> to vector<1x1x2048xf32>
    tpu.vector_store %arg4[%swap3A_119, %swap3A_120, %swap3A_121], %swap3A_124 {strides = array<i32>} : memref<1x4x2048xf32, #tpu.memory_space<vmem>>, vector<1x1x2048xf32>,
    %swap3A_125 = arith.constant 0 : index
    %swap3A_126 = arith.constant 3 : index
    %swap3A_127 = arith.constant 0 : index
    %swap3A_128 = vector.load %arg4[%swap3A_125, %swap3A_126, %swap3A_127] : memref<1x4x2048xf32, #tpu.memory_space<vmem>>, vector<1x1x2048xf32>
    %swap3A_129 = vector.shape_cast %swap3A_128 : vector<1x1x2048xf32> to vector<1x2048xf32>
    %swap3A_130 = vector.shape_cast %min3A_107 : vector<1x2048xf32> to vector<1x1x2048xf32>
    tpu.vector_store %arg4[%swap3A_125, %swap3A_126, %swap3A_127], %swap3A_130 {strides = array<i32>} : memref<1x4x2048xf32, #tpu.memory_space<vmem>>, vector<1x1x2048xf32>,
    %sub3A_131 = arith.subf %min3A_94, %min3A_71 : vector<1x2048xf32>
    %add3A_132 = arith.constant 1.000000e+00 : f32
    %add3A_133 = vector.broadcast %add3A_132 : f32 to vector<1x2048xf32>
    %add3A_134 = arith.addf %sub3A_131, %add3A_133 : vector<1x2048xf32>
    %sub3A_135 = arith.subf %min3A_107, %min3A_81 : vector<1x2048xf32>
    %add3A_136 = arith.constant 1.000000e+00 : f32
    %add3A_137 = vector.broadcast %add3A_136 : f32 to vector<1x2048xf32>
    %add3A_138 = arith.addf %sub3A_135, %add3A_137 : vector<1x2048xf32>
    %ge3A = arith.constant 0.000000e+00 : f32
    %ge3A_139 = vector.broadcast %ge3A : f32 to vector<1x2048xf32>
    %ge3A_140 = arith.cmpf oge, %add3A_134, %ge3A_139 : vector<1x2048xf32>
    %ge3A_141 = arith.constant 0.000000e+00 : f32
    %ge3A_142 = vector.broadcast %ge3A_141 : f32 to vector<1x2048xf32>
    %ge3A_143 = arith.cmpf oge, %add3A_138, %ge3A_142 : vector<1x2048xf32>
    %and3A = arith.andi %ge3A_140, %ge3A_143 : vector<1x2048xi1>
    %get3A_144 = arith.constant 0 : index
    %get3A_145 = arith.constant 0 : index
    %get3A_146 = arith.constant 0 : index
    %get3A_147 = vector.load %arg3[%get3A_144, %get3A_145, %get3A_146] : memref<1x1x2048xf32, #tpu.memory_space<vmem>>, vector<1x1x2048xf32>
    %get3A_148 = vector.shape_cast %get3A_147 : vector<1x1x2048xf32> to vector<1x2048xf32>
    %jit3A_149 = arith.constant 0xFF800000 : f32
    %broadcast_in_dim3A = vector.broadcast %jit3A_149 : f32 to vector<1x2048xf32>
    %select_n3A = arith.select %and3A, %get3A_148, %broadcast_in_dim3A : vector<1x2048xi1>, vector<1x2048xf32>
    %swap3A_150 = arith.constant 0 : index
    %swap3A_151 = arith.constant 0 : index
    %swap3A_152 = arith.constant 0 : index
    %swap3A_153 = vector.load %arg5[%swap3A_150, %swap3A_151, %swap3A_152] : memref<1x1x2048xf32, #tpu.memory_space<vmem>>, vector<1x1x2048xf32>
    %swap3A_154 = vector.shape_cast %swap3A_153 : vector<1x1x2048xf32> to vector<1x2048xf32>
    %swap3A_155 = vector.shape_cast %select_n3A : vector<1x2048xf32> to vector<1x1x2048xf32>
    tpu.vector_store %arg5[%swap3A_150, %swap3A_151, %swap3A_152], %swap3A_155 {strides = array<i32>} : memref<1x1x2048xf32, #tpu.memory_space<vmem>>, vector<1x1x2048xf32>,
    return
  }
  func.func @transform_0(%arg0: i32) -> (i32, i32, i32) {
    %c0_i32 = arith.constant 0 : i32
    %c0_i32_0 = arith.constant 0 : i32
    %c0_i32_1 = arith.constant 0 : i32
    return %arg0, %c0_i32, %c0_i32_0 : i32, i32, i32
  }
  func.func @transform_1(%arg0: i32) -> (i32, i32, i32) {
    %c0_i32 = arith.constant 0 : i32
    %c0_i32_0 = arith.constant 0 : i32
    %c0_i32_1 = arith.constant 0 : i32
    return %arg0, %c0_i32, %c0_i32_0 : i32, i32, i32
  }
  func.func @transform_2(%arg0: i32) -> (i32, i32, i32) {
    %c0_i32 = arith.constant 0 : i32
    %c0_i32_0 = arith.constant 0 : i32
    %c0_i32_1 = arith.constant 0 : i32
    return %arg0, %c0_i32, %c0_i32_0 : i32, i32, i32
  }
  func.func @transform_3(%arg0: i32) -> (i32, i32, i32) {
    %c0_i32 = arith.constant 0 : i32
    %c0_i32_0 = arith.constant 0 : i32
    %c0_i32_1 = arith.constant 0 : i32
    return %arg0, %c0_i32, %c0_i32_0 : i32, i32, i32
  }
  func.func @transform_4(%arg0: i32) -> (i32, i32, i32) {
    %c0_i32 = arith.constant 0 : i32
    %c0_i32_0 = arith.constant 0 : i32
    %c0_i32_1 = arith.constant 0 : i32
    return %arg0, %c0_i32, %c0_i32_0 : i32, i32, i32
  }
}

module attributes {stable_mosaic.version = 14 : i64} {
  func.func @_nms_kernel(%arg0: i32, %arg1: memref<1x4x2048xf32, #tpu.memory_space<vmem>>, %arg2: memref<1x2048x4xf32, #tpu.memory_space<vmem>>, %arg3: memref<1x1x2048xf32, #tpu.memory_space<vmem>>, %arg4: memref<1x1x2048xf32, #tpu.memory_space<vmem>>, %arg5: memref<2048x2048xbf16, #tpu.memory_space<vmem>>) attributes {dimension_semantics = [#tpu.dimension_semantics<arbitrary>], iteration_bounds = array<i64: 2>, scalar_prefetch = 0 : i64, scratch_operands = 1 : i64, tpu.core_type = #tpu.core_type<tc>, window_params = [{transform_indices = @transform_0, window_bounds = array<i64: 1, 4, 2048>}, {transform_indices = @transform_1, window_bounds = array<i64: 1, 2048, 4>}, {transform_indices = @transform_2, window_bounds = array<i64: 1, 1, 2048>}, {transform_indices = @transform_3, window_bounds = array<i64: 1, 1, 2048>}]} {
    %get3A = arith.constant 0 : index
    %get3A_0 = arith.constant 0 : index
    %get3A_1 = arith.constant 0 : index
    %get3A_2 = vector.load %arg3[%get3A, %get3A_0, %get3A_1] : memref<1x1x2048xf32, #tpu.memory_space<vmem>>, vector<1x1x2048xf32>
    %get3A_3 = vector.shape_cast %get3A_2 : vector<1x1x2048xf32> to vector<1x2048xf32>
    %get3A_4 = arith.constant 0 : index
    %get3A_5 = arith.constant 0 : index
    %get3A_6 = arith.constant 0 : index
    %get3A_7 = vector.load %arg1[%get3A_4, %get3A_5, %get3A_6] : memref<1x4x2048xf32, #tpu.memory_space<vmem>>, vector<1x1x2048xf32>
    %get3A_8 = vector.shape_cast %get3A_7 : vector<1x1x2048xf32> to vector<1x2048xf32>
    %get3A_9 = arith.constant 0 : index
    %get3A_10 = arith.constant 1 : index
    %get3A_11 = arith.constant 0 : index
    %get3A_12 = vector.load %arg1[%get3A_9, %get3A_10, %get3A_11] : memref<1x4x2048xf32, #tpu.memory_space<vmem>>, vector<1x1x2048xf32>
    %get3A_13 = vector.shape_cast %get3A_12 : vector<1x1x2048xf32> to vector<1x2048xf32>
    %get3A_14 = arith.constant 0 : index
    %get3A_15 = arith.constant 2 : index
    %get3A_16 = arith.constant 0 : index
    %get3A_17 = vector.load %arg1[%get3A_14, %get3A_15, %get3A_16] : memref<1x4x2048xf32, #tpu.memory_space<vmem>>, vector<1x1x2048xf32>
    %get3A_18 = vector.shape_cast %get3A_17 : vector<1x1x2048xf32> to vector<1x2048xf32>
    %get3A_19 = arith.constant 0 : index
    %get3A_20 = arith.constant 3 : index
    %get3A_21 = arith.constant 0 : index
    %get3A_22 = vector.load %arg1[%get3A_19, %get3A_20, %get3A_21] : memref<1x4x2048xf32, #tpu.memory_space<vmem>>, vector<1x1x2048xf32>
    %get3A_23 = vector.shape_cast %get3A_22 : vector<1x1x2048xf32> to vector<1x2048xf32>
    %sub3A = arith.subf %get3A_18, %get3A_8 : vector<1x2048xf32>
    %add3A = arith.constant 1.000000e+00 : f32
    %add3A_24 = vector.broadcast %add3A : f32 to vector<1x2048xf32>
    %add3A_25 = arith.addf %sub3A, %add3A_24 : vector<1x2048xf32>
    %max3A = arith.constant 0.000000e+00 : f32
    %max3A_26 = vector.broadcast %max3A : f32 to vector<1x2048xf32>
    %max3A_27 = arith.maximumf %add3A_25, %max3A_26 : vector<1x2048xf32>
    %sub3A_28 = arith.subf %get3A_23, %get3A_13 : vector<1x2048xf32>
    %add3A_29 = arith.constant 1.000000e+00 : f32
    %add3A_30 = vector.broadcast %add3A_29 : f32 to vector<1x2048xf32>
    %add3A_31 = arith.addf %sub3A_28, %add3A_30 : vector<1x2048xf32>
    %max3A_32 = arith.constant 0.000000e+00 : f32
    %max3A_33 = vector.broadcast %max3A_32 : f32 to vector<1x2048xf32>
    %max3A_34 = arith.maximumf %add3A_31, %max3A_33 : vector<1x2048xf32>
    %mul3A = arith.mulf %max3A_27, %max3A_34 : vector<1x2048xf32>
    %get3A_35 = arith.constant 0 : index
    %get3A_36 = arith.constant 0 : index
    %get3A_37 = arith.constant 0 : index
    %get3A_38 = vector.load %arg2[%get3A_35, %get3A_36, %get3A_37] : memref<1x2048x4xf32, #tpu.memory_space<vmem>>, vector<1x128x1xf32>
    %get3A_39 = vector.shape_cast %get3A_38 : vector<1x128x1xf32> to vector<128x1xf32>
    %get3A_40 = arith.constant 0 : index
    %get3A_41 = arith.constant 0 : index
    %get3A_42 = arith.constant 1 : index
    %get3A_43 = vector.load %arg2[%get3A_40, %get3A_41, %get3A_42] : memref<1x2048x4xf32, #tpu.memory_space<vmem>>, vector<1x128x1xf32>
    %get3A_44 = vector.shape_cast %get3A_43 : vector<1x128x1xf32> to vector<128x1xf32>
    %get3A_45 = arith.constant 0 : index
    %get3A_46 = arith.constant 0 : index
    %get3A_47 = arith.constant 2 : index
    %get3A_48 = vector.load %arg2[%get3A_45, %get3A_46, %get3A_47] : memref<1x2048x4xf32, #tpu.memory_space<vmem>>, vector<1x128x1xf32>
    %get3A_49 = vector.shape_cast %get3A_48 : vector<1x128x1xf32> to vector<128x1xf32>
    %get3A_50 = arith.constant 0 : index
    %get3A_51 = arith.constant 0 : index
    %get3A_52 = arith.constant 3 : index
    %get3A_53 = vector.load %arg2[%get3A_50, %get3A_51, %get3A_52] : memref<1x2048x4xf32, #tpu.memory_space<vmem>>, vector<1x128x1xf32>
    %get3A_54 = vector.shape_cast %get3A_53 : vector<1x128x1xf32> to vector<128x1xf32>
    %sub3A_55 = arith.subf %get3A_49, %get3A_39 : vector<128x1xf32>
    %add3A_56 = arith.constant 1.000000e+00 : f32
    %add3A_57 = vector.broadcast %add3A_56 : f32 to vector<128x1xf32>
    %add3A_58 = arith.addf %sub3A_55, %add3A_57 : vector<128x1xf32>
    %max3A_59 = arith.constant 0.000000e+00 : f32
    %max3A_60 = vector.broadcast %max3A_59 : f32 to vector<128x1xf32>
    %max3A_61 = arith.maximumf %add3A_58, %max3A_60 : vector<128x1xf32>
    %sub3A_62 = arith.subf %get3A_54, %get3A_44 : vector<128x1xf32>
    %add3A_63 = arith.constant 1.000000e+00 : f32
    %add3A_64 = vector.broadcast %add3A_63 : f32 to vector<128x1xf32>
    %add3A_65 = arith.addf %sub3A_62, %add3A_64 : vector<128x1xf32>
    %max3A_66 = arith.constant 0.000000e+00 : f32
    %max3A_67 = vector.broadcast %max3A_66 : f32 to vector<128x1xf32>
    %max3A_68 = arith.maximumf %add3A_65, %max3A_67 : vector<128x1xf32>
    %mul3A_69 = arith.mulf %max3A_61, %max3A_68 : vector<128x1xf32>
    %max3A_70 = vector.broadcast %get3A_39 : vector<128x1xf32> to vector<128x2048xf32>
    %max3A_71 = vector.broadcast %get3A_8 : vector<1x2048xf32> to vector<128x2048xf32>
    %max3A_72 = arith.maximumf %max3A_70, %max3A_71 : vector<128x2048xf32>
    %max3A_73 = vector.broadcast %get3A_44 : vector<128x1xf32> to vector<128x2048xf32>
    %max3A_74 = vector.broadcast %get3A_13 : vector<1x2048xf32> to vector<128x2048xf32>
    %max3A_75 = arith.maximumf %max3A_73, %max3A_74 : vector<128x2048xf32>
    %min3A = vector.broadcast %get3A_49 : vector<128x1xf32> to vector<128x2048xf32>
    %min3A_76 = vector.broadcast %get3A_18 : vector<1x2048xf32> to vector<128x2048xf32>
    %min3A_77 = arith.minimumf %min3A, %min3A_76 : vector<128x2048xf32>
    %min3A_78 = vector.broadcast %get3A_54 : vector<128x1xf32> to vector<128x2048xf32>
    %min3A_79 = vector.broadcast %get3A_23 : vector<1x2048xf32> to vector<128x2048xf32>
    %min3A_80 = arith.minimumf %min3A_78, %min3A_79 : vector<128x2048xf32>
    %sub3A_81 = arith.subf %min3A_77, %max3A_72 : vector<128x2048xf32>
    %add3A_82 = arith.constant 1.000000e+00 : f32
    %add3A_83 = vector.broadcast %add3A_82 : f32 to vector<128x2048xf32>
    %add3A_84 = arith.addf %sub3A_81, %add3A_83 : vector<128x2048xf32>
    %max3A_85 = arith.constant 0.000000e+00 : f32
    %max3A_86 = vector.broadcast %max3A_85 : f32 to vector<128x2048xf32>
    %max3A_87 = arith.maximumf %add3A_84, %max3A_86 : vector<128x2048xf32>
    %sub3A_88 = arith.subf %min3A_80, %max3A_75 : vector<128x2048xf32>
    %add3A_89 = arith.constant 1.000000e+00 : f32
    %add3A_90 = vector.broadcast %add3A_89 : f32 to vector<128x2048xf32>
    %add3A_91 = arith.addf %sub3A_88, %add3A_90 : vector<128x2048xf32>
    %max3A_92 = arith.constant 0.000000e+00 : f32
    %max3A_93 = vector.broadcast %max3A_92 : f32 to vector<128x2048xf32>
    %max3A_94 = arith.maximumf %add3A_91, %max3A_93 : vector<128x2048xf32>
    %mul3A_95 = arith.mulf %max3A_87, %max3A_94 : vector<128x2048xf32>
    %add3A_96 = vector.broadcast %mul3A_69 : vector<128x1xf32> to vector<128x2048xf32>
    %add3A_97 = vector.broadcast %mul3A : vector<1x2048xf32> to vector<128x2048xf32>
    %add3A_98 = arith.addf %add3A_96, %add3A_97 : vector<128x2048xf32>
    %sub3A_99 = arith.subf %add3A_98, %mul3A_95 : vector<128x2048xf32>
    %add3A_100 = arith.constant 9.99999971E-10 : f32
    %add3A_101 = vector.broadcast %add3A_100 : f32 to vector<128x2048xf32>
    %add3A_102 = arith.addf %sub3A_99, %add3A_101 : vector<128x2048xf32>
    %div3A = arith.divf %mul3A_95, %add3A_102 : vector<128x2048xf32>
    %iota3A = tpu.iota {dimensions = array<i32: 0>} : vector<128x2048xi32>
    %add3A_103 = arith.constant 0 : i32
    %add3A_104 = vector.broadcast %add3A_103 : i32 to vector<128x2048xi32>
    %add3A_105 = arith.addi %iota3A, %add3A_104 : vector<128x2048xi32>
    %iota3A_106 = tpu.iota {dimensions = array<i32: 1>} : vector<128x2048xi32>
    %gt3A = arith.constant 0.699999988 : f32
    %gt3A_107 = vector.broadcast %gt3A : f32 to vector<128x2048xf32>
    %gt3A_108 = arith.cmpf ogt, %div3A, %gt3A_107 : vector<128x2048xf32>
    %gt3A_109 = arith.cmpi sgt, %iota3A_106, %add3A_105 : vector<128x2048xi32>
    %and3A = arith.andi %gt3A_108, %gt3A_109 : vector<128x2048xi1>
    %convert_element_type3A = arith.extui %and3A : vector<128x2048xi1> to vector<128x2048xi32>
    %convert_element_type3A_110 = arith.sitofp %convert_element_type3A : vector<128x2048xi32> to vector<128x2048xf32>
    %convert_element_type3A_111 = arith.truncf %convert_element_type3A_110 : vector<128x2048xf32> to vector<128x2048xbf16>
    %swap3A = arith.constant 0 : index
    %swap3A_112 = arith.constant 0 : index
    %swap3A_113 = vector.load %arg5[%swap3A, %swap3A_112] : memref<2048x2048xbf16, #tpu.memory_space<vmem>>, vector<128x2048xbf16>
    tpu.vector_store %arg5[%swap3A, %swap3A_112], %convert_element_type3A_111 {strides = array<i32>} : memref<2048x2048xbf16, #tpu.memory_space<vmem>>, vector<128x2048xbf16>,
    %get3A_114 = arith.constant 0 : index
    %get3A_115 = arith.constant 128 : index
    %get3A_116 = arith.constant 0 : index
    %get3A_117 = vector.load %arg2[%get3A_114, %get3A_115, %get3A_116] : memref<1x2048x4xf32, #tpu.memory_space<vmem>>, vector<1x128x1xf32>
    %get3A_118 = vector.shape_cast %get3A_117 : vector<1x128x1xf32> to vector<128x1xf32>
    %get3A_119 = arith.constant 0 : index
    %get3A_120 = arith.constant 128 : index
    %get3A_121 = arith.constant 1 : index
    %get3A_122 = vector.load %arg2[%get3A_119, %get3A_120, %get3A_121] : memref<1x2048x4xf32, #tpu.memory_space<vmem>>, vector<1x128x1xf32>
    %get3A_123 = vector.shape_cast %get3A_122 : vector<1x128x1xf32> to vector<128x1xf32>
    %get3A_124 = arith.constant 0 : index
    %get3A_125 = arith.constant 128 : index
    %get3A_126 = arith.constant 2 : index
    %get3A_127 = vector.load %arg2[%get3A_124, %get3A_125, %get3A_126] : memref<1x2048x4xf32, #tpu.memory_space<vmem>>, vector<1x128x1xf32>
    %get3A_128 = vector.shape_cast %get3A_127 : vector<1x128x1xf32> to vector<128x1xf32>
    %get3A_129 = arith.constant 0 : index
    %get3A_130 = arith.constant 128 : index
    %get3A_131 = arith.constant 3 : index
    %get3A_132 = vector.load %arg2[%get3A_129, %get3A_130, %get3A_131] : memref<1x2048x4xf32, #tpu.memory_space<vmem>>, vector<1x128x1xf32>
    %get3A_133 = vector.shape_cast %get3A_132 : vector<1x128x1xf32> to vector<128x1xf32>
    %sub3A_134 = arith.subf %get3A_128, %get3A_118 : vector<128x1xf32>
    %add3A_135 = arith.constant 1.000000e+00 : f32
    %add3A_136 = vector.broadcast %add3A_135 : f32 to vector<128x1xf32>
    %add3A_137 = arith.addf %sub3A_134, %add3A_136 : vector<128x1xf32>
    %max3A_138 = arith.constant 0.000000e+00 : f32
    %max3A_139 = vector.broadcast %max3A_138 : f32 to vector<128x1xf32>
    %max3A_140 = arith.maximumf %add3A_137, %max3A_139 : vector<128x1xf32>
    %sub3A_141 = arith.subf %get3A_133, %get3A_123 : vector<128x1xf32>
    %add3A_142 = arith.constant 1.000000e+00 : f32
    %add3A_143 = vector.broadcast %add3A_142 : f32 to vector<128x1xf32>
    %add3A_144 = arith.addf %sub3A_141, %add3A_143 : vector<128x1xf32>
    %max3A_145 = arith.constant 0.000000e+00 : f32
    %max3A_146 = vector.broadcast %max3A_145 : f32 to vector<128x1xf32>
    %max3A_147 = arith.maximumf %add3A_144, %max3A_146 : vector<128x1xf32>
    %mul3A_148 = arith.mulf %max3A_140, %max3A_147 : vector<128x1xf32>
    %max3A_149 = vector.broadcast %get3A_118 : vector<128x1xf32> to vector<128x2048xf32>
    %max3A_150 = vector.broadcast %get3A_8 : vector<1x2048xf32> to vector<128x2048xf32>
    %max3A_151 = arith.maximumf %max3A_149, %max3A_150 : vector<128x2048xf32>
    %max3A_152 = vector.broadcast %get3A_123 : vector<128x1xf32> to vector<128x2048xf32>
    %max3A_153 = vector.broadcast %get3A_13 : vector<1x2048xf32> to vector<128x2048xf32>
    %max3A_154 = arith.maximumf %max3A_152, %max3A_153 : vector<128x2048xf32>
    %min3A_155 = vector.broadcast %get3A_128 : vector<128x1xf32> to vector<128x2048xf32>
    %min3A_156 = vector.broadcast %get3A_18 : vector<1x2048xf32> to vector<128x2048xf32>
    %min3A_157 = arith.minimumf %min3A_155, %min3A_156 : vector<128x2048xf32>
    %min3A_158 = vector.broadcast %get3A_133 : vector<128x1xf32> to vector<128x2048xf32>
    %min3A_159 = vector.broadcast %get3A_23 : vector<1x2048xf32> to vector<128x2048xf32>
    %min3A_160 = arith.minimumf %min3A_158, %min3A_159 : vector<128x2048xf32>
    %sub3A_161 = arith.subf %min3A_157, %max3A_151 : vector<128x2048xf32>
    %add3A_162 = arith.constant 1.000000e+00 : f32
    %add3A_163 = vector.broadcast %add3A_162 : f32 to vector<128x2048xf32>
    %add3A_164 = arith.addf %sub3A_161, %add3A_163 : vector<128x2048xf32>
    %max3A_165 = arith.constant 0.000000e+00 : f32
    %max3A_166 = vector.broadcast %max3A_165 : f32 to vector<128x2048xf32>
    %max3A_167 = arith.maximumf %add3A_164, %max3A_166 : vector<128x2048xf32>
    %sub3A_168 = arith.subf %min3A_160, %max3A_154 : vector<128x2048xf32>
    %add3A_169 = arith.constant 1.000000e+00 : f32
    %add3A_170 = vector.broadcast %add3A_169 : f32 to vector<128x2048xf32>
    %add3A_171 = arith.addf %sub3A_168, %add3A_170 : vector<128x2048xf32>
    %max3A_172 = arith.constant 0.000000e+00 : f32
    %max3A_173 = vector.broadcast %max3A_172 : f32 to vector<128x2048xf32>
    %max3A_174 = arith.maximumf %add3A_171, %max3A_173 : vector<128x2048xf32>
    %mul3A_175 = arith.mulf %max3A_167, %max3A_174 : vector<128x2048xf32>
    %add3A_176 = vector.broadcast %mul3A_148 : vector<128x1xf32> to vector<128x2048xf32>
    %add3A_177 = vector.broadcast %mul3A : vector<1x2048xf32> to vector<128x2048xf32>
    %add3A_178 = arith.addf %add3A_176, %add3A_177 : vector<128x2048xf32>
    %sub3A_179 = arith.subf %add3A_178, %mul3A_175 : vector<128x2048xf32>
    %add3A_180 = arith.constant 9.99999971E-10 : f32
    %add3A_181 = vector.broadcast %add3A_180 : f32 to vector<128x2048xf32>
    %add3A_182 = arith.addf %sub3A_179, %add3A_181 : vector<128x2048xf32>
    %div3A_183 = arith.divf %mul3A_175, %add3A_182 : vector<128x2048xf32>
    %iota3A_184 = tpu.iota {dimensions = array<i32: 0>} : vector<128x2048xi32>
    %add3A_185 = arith.constant 128 : i32
    %add3A_186 = vector.broadcast %add3A_185 : i32 to vector<128x2048xi32>
    %add3A_187 = arith.addi %iota3A_184, %add3A_186 : vector<128x2048xi32>
    %iota3A_188 = tpu.iota {dimensions = array<i32: 1>} : vector<128x2048xi32>
    %gt3A_189 = arith.constant 0.699999988 : f32
    %gt3A_190 = vector.broadcast %gt3A_189 : f32 to vector<128x2048xf32>
    %gt3A_191 = arith.cmpf ogt, %div3A_183, %gt3A_190 : vector<128x2048xf32>
    %gt3A_192 = arith.cmpi sgt, %iota3A_188, %add3A_187 : vector<128x2048xi32>
    %and3A_193 = arith.andi %gt3A_191, %gt3A_192 : vector<128x2048xi1>
    %convert_element_type3A_194 = arith.extui %and3A_193 : vector<128x2048xi1> to vector<128x2048xi32>
    %convert_element_type3A_195 = arith.sitofp %convert_element_type3A_194 : vector<128x2048xi32> to vector<128x2048xf32>
    %convert_element_type3A_196 = arith.truncf %convert_element_type3A_195 : vector<128x2048xf32> to vector<128x2048xbf16>
    %swap3A_197 = arith.constant 128 : index
    %swap3A_198 = arith.constant 0 : index
    %swap3A_199 = vector.load %arg5[%swap3A_197, %swap3A_198] : memref<2048x2048xbf16, #tpu.memory_space<vmem>>, vector<128x2048xbf16>
    tpu.vector_store %arg5[%swap3A_197, %swap3A_198], %convert_element_type3A_196 {strides = array<i32>} : memref<2048x2048xbf16, #tpu.memory_space<vmem>>, vector<128x2048xbf16>,
    %get3A_200 = arith.constant 0 : index
    %get3A_201 = arith.constant 256 : index
    %get3A_202 = arith.constant 0 : index
    %get3A_203 = vector.load %arg2[%get3A_200, %get3A_201, %get3A_202] : memref<1x2048x4xf32, #tpu.memory_space<vmem>>, vector<1x128x1xf32>
    %get3A_204 = vector.shape_cast %get3A_203 : vector<1x128x1xf32> to vector<128x1xf32>
    %get3A_205 = arith.constant 0 : index
    %get3A_206 = arith.constant 256 : index
    %get3A_207 = arith.constant 1 : index
    %get3A_208 = vector.load %arg2[%get3A_205, %get3A_206, %get3A_207] : memref<1x2048x4xf32, #tpu.memory_space<vmem>>, vector<1x128x1xf32>
    %get3A_209 = vector.shape_cast %get3A_208 : vector<1x128x1xf32> to vector<128x1xf32>
    %get3A_210 = arith.constant 0 : index
    %get3A_211 = arith.constant 256 : index
    %get3A_212 = arith.constant 2 : index
    %get3A_213 = vector.load %arg2[%get3A_210, %get3A_211, %get3A_212] : memref<1x2048x4xf32, #tpu.memory_space<vmem>>, vector<1x128x1xf32>
    %get3A_214 = vector.shape_cast %get3A_213 : vector<1x128x1xf32> to vector<128x1xf32>
    %get3A_215 = arith.constant 0 : index
    %get3A_216 = arith.constant 256 : index
    %get3A_217 = arith.constant 3 : index
    %get3A_218 = vector.load %arg2[%get3A_215, %get3A_216, %get3A_217] : memref<1x2048x4xf32, #tpu.memory_space<vmem>>, vector<1x128x1xf32>
    %get3A_219 = vector.shape_cast %get3A_218 : vector<1x128x1xf32> to vector<128x1xf32>
    %sub3A_220 = arith.subf %get3A_214, %get3A_204 : vector<128x1xf32>
    %add3A_221 = arith.constant 1.000000e+00 : f32
    %add3A_222 = vector.broadcast %add3A_221 : f32 to vector<128x1xf32>
    %add3A_223 = arith.addf %sub3A_220, %add3A_222 : vector<128x1xf32>
    %max3A_224 = arith.constant 0.000000e+00 : f32
    %max3A_225 = vector.broadcast %max3A_224 : f32 to vector<128x1xf32>
    %max3A_226 = arith.maximumf %add3A_223, %max3A_225 : vector<128x1xf32>
    %sub3A_227 = arith.subf %get3A_219, %get3A_209 : vector<128x1xf32>
    %add3A_228 = arith.constant 1.000000e+00 : f32
    %add3A_229 = vector.broadcast %add3A_228 : f32 to vector<128x1xf32>
    %add3A_230 = arith.addf %sub3A_227, %add3A_229 : vector<128x1xf32>
    %max3A_231 = arith.constant 0.000000e+00 : f32
    %max3A_232 = vector.broadcast %max3A_231 : f32 to vector<128x1xf32>
    %max3A_233 = arith.maximumf %add3A_230, %max3A_232 : vector<128x1xf32>
    %mul3A_234 = arith.mulf %max3A_226, %max3A_233 : vector<128x1xf32>
    %max3A_235 = vector.broadcast %get3A_204 : vector<128x1xf32> to vector<128x2048xf32>
    %max3A_236 = vector.broadcast %get3A_8 : vector<1x2048xf32> to vector<128x2048xf32>
    %max3A_237 = arith.maximumf %max3A_235, %max3A_236 : vector<128x2048xf32>
    %max3A_238 = vector.broadcast %get3A_209 : vector<128x1xf32> to vector<128x2048xf32>
    %max3A_239 = vector.broadcast %get3A_13 : vector<1x2048xf32> to vector<128x2048xf32>
    %max3A_240 = arith.maximumf %max3A_238, %max3A_239 : vector<128x2048xf32>
    %min3A_241 = vector.broadcast %get3A_214 : vector<128x1xf32> to vector<128x2048xf32>
    %min3A_242 = vector.broadcast %get3A_18 : vector<1x2048xf32> to vector<128x2048xf32>
    %min3A_243 = arith.minimumf %min3A_241, %min3A_242 : vector<128x2048xf32>
    %min3A_244 = vector.broadcast %get3A_219 : vector<128x1xf32> to vector<128x2048xf32>
    %min3A_245 = vector.broadcast %get3A_23 : vector<1x2048xf32> to vector<128x2048xf32>
    %min3A_246 = arith.minimumf %min3A_244, %min3A_245 : vector<128x2048xf32>
    %sub3A_247 = arith.subf %min3A_243, %max3A_237 : vector<128x2048xf32>
    %add3A_248 = arith.constant 1.000000e+00 : f32
    %add3A_249 = vector.broadcast %add3A_248 : f32 to vector<128x2048xf32>
    %add3A_250 = arith.addf %sub3A_247, %add3A_249 : vector<128x2048xf32>
    %max3A_251 = arith.constant 0.000000e+00 : f32
    %max3A_252 = vector.broadcast %max3A_251 : f32 to vector<128x2048xf32>
    %max3A_253 = arith.maximumf %add3A_250, %max3A_252 : vector<128x2048xf32>
    %sub3A_254 = arith.subf %min3A_246, %max3A_240 : vector<128x2048xf32>
    %add3A_255 = arith.constant 1.000000e+00 : f32
    %add3A_256 = vector.broadcast %add3A_255 : f32 to vector<128x2048xf32>
    %add3A_257 = arith.addf %sub3A_254, %add3A_256 : vector<128x2048xf32>
    %max3A_258 = arith.constant 0.000000e+00 : f32
    %max3A_259 = vector.broadcast %max3A_258 : f32 to vector<128x2048xf32>
    %max3A_260 = arith.maximumf %add3A_257, %max3A_259 : vector<128x2048xf32>
    %mul3A_261 = arith.mulf %max3A_253, %max3A_260 : vector<128x2048xf32>
    %add3A_262 = vector.broadcast %mul3A_234 : vector<128x1xf32> to vector<128x2048xf32>
    %add3A_263 = vector.broadcast %mul3A : vector<1x2048xf32> to vector<128x2048xf32>
    %add3A_264 = arith.addf %add3A_262, %add3A_263 : vector<128x2048xf32>
    %sub3A_265 = arith.subf %add3A_264, %mul3A_261 : vector<128x2048xf32>
    %add3A_266 = arith.constant 9.99999971E-10 : f32
    %add3A_267 = vector.broadcast %add3A_266 : f32 to vector<128x2048xf32>
    %add3A_268 = arith.addf %sub3A_265, %add3A_267 : vector<128x2048xf32>
    %div3A_269 = arith.divf %mul3A_261, %add3A_268 : vector<128x2048xf32>
    %iota3A_270 = tpu.iota {dimensions = array<i32: 0>} : vector<128x2048xi32>
    %add3A_271 = arith.constant 256 : i32
    %add3A_272 = vector.broadcast %add3A_271 : i32 to vector<128x2048xi32>
    %add3A_273 = arith.addi %iota3A_270, %add3A_272 : vector<128x2048xi32>
    %iota3A_274 = tpu.iota {dimensions = array<i32: 1>} : vector<128x2048xi32>
    %gt3A_275 = arith.constant 0.699999988 : f32
    %gt3A_276 = vector.broadcast %gt3A_275 : f32 to vector<128x2048xf32>
    %gt3A_277 = arith.cmpf ogt, %div3A_269, %gt3A_276 : vector<128x2048xf32>
    %gt3A_278 = arith.cmpi sgt, %iota3A_274, %add3A_273 : vector<128x2048xi32>
    %and3A_279 = arith.andi %gt3A_277, %gt3A_278 : vector<128x2048xi1>
    %convert_element_type3A_280 = arith.extui %and3A_279 : vector<128x2048xi1> to vector<128x2048xi32>
    %convert_element_type3A_281 = arith.sitofp %convert_element_type3A_280 : vector<128x2048xi32> to vector<128x2048xf32>
    %convert_element_type3A_282 = arith.truncf %convert_element_type3A_281 : vector<128x2048xf32> to vector<128x2048xbf16>
    %swap3A_283 = arith.constant 256 : index
    %swap3A_284 = arith.constant 0 : index
    %swap3A_285 = vector.load %arg5[%swap3A_283, %swap3A_284] : memref<2048x2048xbf16, #tpu.memory_space<vmem>>, vector<128x2048xbf16>
    tpu.vector_store %arg5[%swap3A_283, %swap3A_284], %convert_element_type3A_282 {strides = array<i32>} : memref<2048x2048xbf16, #tpu.memory_space<vmem>>, vector<128x2048xbf16>,
    %get3A_286 = arith.constant 0 : index
    %get3A_287 = arith.constant 384 : index
    %get3A_288 = arith.constant 0 : index
    %get3A_289 = vector.load %arg2[%get3A_286, %get3A_287, %get3A_288] : memref<1x2048x4xf32, #tpu.memory_space<vmem>>, vector<1x128x1xf32>
    %get3A_290 = vector.shape_cast %get3A_289 : vector<1x128x1xf32> to vector<128x1xf32>
    %get3A_291 = arith.constant 0 : index
    %get3A_292 = arith.constant 384 : index
    %get3A_293 = arith.constant 1 : index
    %get3A_294 = vector.load %arg2[%get3A_291, %get3A_292, %get3A_293] : memref<1x2048x4xf32, #tpu.memory_space<vmem>>, vector<1x128x1xf32>
    %get3A_295 = vector.shape_cast %get3A_294 : vector<1x128x1xf32> to vector<128x1xf32>
    %get3A_296 = arith.constant 0 : index
    %get3A_297 = arith.constant 384 : index
    %get3A_298 = arith.constant 2 : index
    %get3A_299 = vector.load %arg2[%get3A_296, %get3A_297, %get3A_298] : memref<1x2048x4xf32, #tpu.memory_space<vmem>>, vector<1x128x1xf32>
    %get3A_300 = vector.shape_cast %get3A_299 : vector<1x128x1xf32> to vector<128x1xf32>
    %get3A_301 = arith.constant 0 : index
    %get3A_302 = arith.constant 384 : index
    %get3A_303 = arith.constant 3 : index
    %get3A_304 = vector.load %arg2[%get3A_301, %get3A_302, %get3A_303] : memref<1x2048x4xf32, #tpu.memory_space<vmem>>, vector<1x128x1xf32>
    %get3A_305 = vector.shape_cast %get3A_304 : vector<1x128x1xf32> to vector<128x1xf32>
    %sub3A_306 = arith.subf %get3A_300, %get3A_290 : vector<128x1xf32>
    %add3A_307 = arith.constant 1.000000e+00 : f32
    %add3A_308 = vector.broadcast %add3A_307 : f32 to vector<128x1xf32>
    %add3A_309 = arith.addf %sub3A_306, %add3A_308 : vector<128x1xf32>
    %max3A_310 = arith.constant 0.000000e+00 : f32
    %max3A_311 = vector.broadcast %max3A_310 : f32 to vector<128x1xf32>
    %max3A_312 = arith.maximumf %add3A_309, %max3A_311 : vector<128x1xf32>
    %sub3A_313 = arith.subf %get3A_305, %get3A_295 : vector<128x1xf32>
    %add3A_314 = arith.constant 1.000000e+00 : f32
    %add3A_315 = vector.broadcast %add3A_314 : f32 to vector<128x1xf32>
    %add3A_316 = arith.addf %sub3A_313, %add3A_315 : vector<128x1xf32>
    %max3A_317 = arith.constant 0.000000e+00 : f32
    %max3A_318 = vector.broadcast %max3A_317 : f32 to vector<128x1xf32>
    %max3A_319 = arith.maximumf %add3A_316, %max3A_318 : vector<128x1xf32>
    %mul3A_320 = arith.mulf %max3A_312, %max3A_319 : vector<128x1xf32>
    %max3A_321 = vector.broadcast %get3A_290 : vector<128x1xf32> to vector<128x2048xf32>
    %max3A_322 = vector.broadcast %get3A_8 : vector<1x2048xf32> to vector<128x2048xf32>
    %max3A_323 = arith.maximumf %max3A_321, %max3A_322 : vector<128x2048xf32>
    %max3A_324 = vector.broadcast %get3A_295 : vector<128x1xf32> to vector<128x2048xf32>
    %max3A_325 = vector.broadcast %get3A_13 : vector<1x2048xf32> to vector<128x2048xf32>
    %max3A_326 = arith.maximumf %max3A_324, %max3A_325 : vector<128x2048xf32>
    %min3A_327 = vector.broadcast %get3A_300 : vector<128x1xf32> to vector<128x2048xf32>
    %min3A_328 = vector.broadcast %get3A_18 : vector<1x2048xf32> to vector<128x2048xf32>
    %min3A_329 = arith.minimumf %min3A_327, %min3A_328 : vector<128x2048xf32>
    %min3A_330 = vector.broadcast %get3A_305 : vector<128x1xf32> to vector<128x2048xf32>
    %min3A_331 = vector.broadcast %get3A_23 : vector<1x2048xf32> to vector<128x2048xf32>
    %min3A_332 = arith.minimumf %min3A_330, %min3A_331 : vector<128x2048xf32>
    %sub3A_333 = arith.subf %min3A_329, %max3A_323 : vector<128x2048xf32>
    %add3A_334 = arith.constant 1.000000e+00 : f32
    %add3A_335 = vector.broadcast %add3A_334 : f32 to vector<128x2048xf32>
    %add3A_336 = arith.addf %sub3A_333, %add3A_335 : vector<128x2048xf32>
    %max3A_337 = arith.constant 0.000000e+00 : f32
    %max3A_338 = vector.broadcast %max3A_337 : f32 to vector<128x2048xf32>
    %max3A_339 = arith.maximumf %add3A_336, %max3A_338 : vector<128x2048xf32>
    %sub3A_340 = arith.subf %min3A_332, %max3A_326 : vector<128x2048xf32>
    %add3A_341 = arith.constant 1.000000e+00 : f32
    %add3A_342 = vector.broadcast %add3A_341 : f32 to vector<128x2048xf32>
    %add3A_343 = arith.addf %sub3A_340, %add3A_342 : vector<128x2048xf32>
    %max3A_344 = arith.constant 0.000000e+00 : f32
    %max3A_345 = vector.broadcast %max3A_344 : f32 to vector<128x2048xf32>
    %max3A_346 = arith.maximumf %add3A_343, %max3A_345 : vector<128x2048xf32>
    %mul3A_347 = arith.mulf %max3A_339, %max3A_346 : vector<128x2048xf32>
    %add3A_348 = vector.broadcast %mul3A_320 : vector<128x1xf32> to vector<128x2048xf32>
    %add3A_349 = vector.broadcast %mul3A : vector<1x2048xf32> to vector<128x2048xf32>
    %add3A_350 = arith.addf %add3A_348, %add3A_349 : vector<128x2048xf32>
    %sub3A_351 = arith.subf %add3A_350, %mul3A_347 : vector<128x2048xf32>
    %add3A_352 = arith.constant 9.99999971E-10 : f32
    %add3A_353 = vector.broadcast %add3A_352 : f32 to vector<128x2048xf32>
    %add3A_354 = arith.addf %sub3A_351, %add3A_353 : vector<128x2048xf32>
    %div3A_355 = arith.divf %mul3A_347, %add3A_354 : vector<128x2048xf32>
    %iota3A_356 = tpu.iota {dimensions = array<i32: 0>} : vector<128x2048xi32>
    %add3A_357 = arith.constant 384 : i32
    %add3A_358 = vector.broadcast %add3A_357 : i32 to vector<128x2048xi32>
    %add3A_359 = arith.addi %iota3A_356, %add3A_358 : vector<128x2048xi32>
    %iota3A_360 = tpu.iota {dimensions = array<i32: 1>} : vector<128x2048xi32>
    %gt3A_361 = arith.constant 0.699999988 : f32
    %gt3A_362 = vector.broadcast %gt3A_361 : f32 to vector<128x2048xf32>
    %gt3A_363 = arith.cmpf ogt, %div3A_355, %gt3A_362 : vector<128x2048xf32>
    %gt3A_364 = arith.cmpi sgt, %iota3A_360, %add3A_359 : vector<128x2048xi32>
    %and3A_365 = arith.andi %gt3A_363, %gt3A_364 : vector<128x2048xi1>
    %convert_element_type3A_366 = arith.extui %and3A_365 : vector<128x2048xi1> to vector<128x2048xi32>
    %convert_element_type3A_367 = arith.sitofp %convert_element_type3A_366 : vector<128x2048xi32> to vector<128x2048xf32>
    %convert_element_type3A_368 = arith.truncf %convert_element_type3A_367 : vector<128x2048xf32> to vector<128x2048xbf16>
    %swap3A_369 = arith.constant 384 : index
    %swap3A_370 = arith.constant 0 : index
    %swap3A_371 = vector.load %arg5[%swap3A_369, %swap3A_370] : memref<2048x2048xbf16, #tpu.memory_space<vmem>>, vector<128x2048xbf16>
    tpu.vector_store %arg5[%swap3A_369, %swap3A_370], %convert_element_type3A_368 {strides = array<i32>} : memref<2048x2048xbf16, #tpu.memory_space<vmem>>, vector<128x2048xbf16>,
    %get3A_372 = arith.constant 0 : index
    %get3A_373 = arith.constant 512 : index
    %get3A_374 = arith.constant 0 : index
    %get3A_375 = vector.load %arg2[%get3A_372, %get3A_373, %get3A_374] : memref<1x2048x4xf32, #tpu.memory_space<vmem>>, vector<1x128x1xf32>
    %get3A_376 = vector.shape_cast %get3A_375 : vector<1x128x1xf32> to vector<128x1xf32>
    %get3A_377 = arith.constant 0 : index
    %get3A_378 = arith.constant 512 : index
    %get3A_379 = arith.constant 1 : index
    %get3A_380 = vector.load %arg2[%get3A_377, %get3A_378, %get3A_379] : memref<1x2048x4xf32, #tpu.memory_space<vmem>>, vector<1x128x1xf32>
    %get3A_381 = vector.shape_cast %get3A_380 : vector<1x128x1xf32> to vector<128x1xf32>
    %get3A_382 = arith.constant 0 : index
    %get3A_383 = arith.constant 512 : index
    %get3A_384 = arith.constant 2 : index
    %get3A_385 = vector.load %arg2[%get3A_382, %get3A_383, %get3A_384] : memref<1x2048x4xf32, #tpu.memory_space<vmem>>, vector<1x128x1xf32>
    %get3A_386 = vector.shape_cast %get3A_385 : vector<1x128x1xf32> to vector<128x1xf32>
    %get3A_387 = arith.constant 0 : index
    %get3A_388 = arith.constant 512 : index
    %get3A_389 = arith.constant 3 : index
    %get3A_390 = vector.load %arg2[%get3A_387, %get3A_388, %get3A_389] : memref<1x2048x4xf32, #tpu.memory_space<vmem>>, vector<1x128x1xf32>
    %get3A_391 = vector.shape_cast %get3A_390 : vector<1x128x1xf32> to vector<128x1xf32>
    %sub3A_392 = arith.subf %get3A_386, %get3A_376 : vector<128x1xf32>
    %add3A_393 = arith.constant 1.000000e+00 : f32
    %add3A_394 = vector.broadcast %add3A_393 : f32 to vector<128x1xf32>
    %add3A_395 = arith.addf %sub3A_392, %add3A_394 : vector<128x1xf32>
    %max3A_396 = arith.constant 0.000000e+00 : f32
    %max3A_397 = vector.broadcast %max3A_396 : f32 to vector<128x1xf32>
    %max3A_398 = arith.maximumf %add3A_395, %max3A_397 : vector<128x1xf32>
    %sub3A_399 = arith.subf %get3A_391, %get3A_381 : vector<128x1xf32>
    %add3A_400 = arith.constant 1.000000e+00 : f32
    %add3A_401 = vector.broadcast %add3A_400 : f32 to vector<128x1xf32>
    %add3A_402 = arith.addf %sub3A_399, %add3A_401 : vector<128x1xf32>
    %max3A_403 = arith.constant 0.000000e+00 : f32
    %max3A_404 = vector.broadcast %max3A_403 : f32 to vector<128x1xf32>
    %max3A_405 = arith.maximumf %add3A_402, %max3A_404 : vector<128x1xf32>
    %mul3A_406 = arith.mulf %max3A_398, %max3A_405 : vector<128x1xf32>
    %max3A_407 = vector.broadcast %get3A_376 : vector<128x1xf32> to vector<128x2048xf32>
    %max3A_408 = vector.broadcast %get3A_8 : vector<1x2048xf32> to vector<128x2048xf32>
    %max3A_409 = arith.maximumf %max3A_407, %max3A_408 : vector<128x2048xf32>
    %max3A_410 = vector.broadcast %get3A_381 : vector<128x1xf32> to vector<128x2048xf32>
    %max3A_411 = vector.broadcast %get3A_13 : vector<1x2048xf32> to vector<128x2048xf32>
    %max3A_412 = arith.maximumf %max3A_410, %max3A_411 : vector<128x2048xf32>
    %min3A_413 = vector.broadcast %get3A_386 : vector<128x1xf32> to vector<128x2048xf32>
    %min3A_414 = vector.broadcast %get3A_18 : vector<1x2048xf32> to vector<128x2048xf32>
    %min3A_415 = arith.minimumf %min3A_413, %min3A_414 : vector<128x2048xf32>
    %min3A_416 = vector.broadcast %get3A_391 : vector<128x1xf32> to vector<128x2048xf32>
    %min3A_417 = vector.broadcast %get3A_23 : vector<1x2048xf32> to vector<128x2048xf32>
    %min3A_418 = arith.minimumf %min3A_416, %min3A_417 : vector<128x2048xf32>
    %sub3A_419 = arith.subf %min3A_415, %max3A_409 : vector<128x2048xf32>
    %add3A_420 = arith.constant 1.000000e+00 : f32
    %add3A_421 = vector.broadcast %add3A_420 : f32 to vector<128x2048xf32>
    %add3A_422 = arith.addf %sub3A_419, %add3A_421 : vector<128x2048xf32>
    %max3A_423 = arith.constant 0.000000e+00 : f32
    %max3A_424 = vector.broadcast %max3A_423 : f32 to vector<128x2048xf32>
    %max3A_425 = arith.maximumf %add3A_422, %max3A_424 : vector<128x2048xf32>
    %sub3A_426 = arith.subf %min3A_418, %max3A_412 : vector<128x2048xf32>
    %add3A_427 = arith.constant 1.000000e+00 : f32
    %add3A_428 = vector.broadcast %add3A_427 : f32 to vector<128x2048xf32>
    %add3A_429 = arith.addf %sub3A_426, %add3A_428 : vector<128x2048xf32>
    %max3A_430 = arith.constant 0.000000e+00 : f32
    %max3A_431 = vector.broadcast %max3A_430 : f32 to vector<128x2048xf32>
    %max3A_432 = arith.maximumf %add3A_429, %max3A_431 : vector<128x2048xf32>
    %mul3A_433 = arith.mulf %max3A_425, %max3A_432 : vector<128x2048xf32>
    %add3A_434 = vector.broadcast %mul3A_406 : vector<128x1xf32> to vector<128x2048xf32>
    %add3A_435 = vector.broadcast %mul3A : vector<1x2048xf32> to vector<128x2048xf32>
    %add3A_436 = arith.addf %add3A_434, %add3A_435 : vector<128x2048xf32>
    %sub3A_437 = arith.subf %add3A_436, %mul3A_433 : vector<128x2048xf32>
    %add3A_438 = arith.constant 9.99999971E-10 : f32
    %add3A_439 = vector.broadcast %add3A_438 : f32 to vector<128x2048xf32>
    %add3A_440 = arith.addf %sub3A_437, %add3A_439 : vector<128x2048xf32>
    %div3A_441 = arith.divf %mul3A_433, %add3A_440 : vector<128x2048xf32>
    %iota3A_442 = tpu.iota {dimensions = array<i32: 0>} : vector<128x2048xi32>
    %add3A_443 = arith.constant 512 : i32
    %add3A_444 = vector.broadcast %add3A_443 : i32 to vector<128x2048xi32>
    %add3A_445 = arith.addi %iota3A_442, %add3A_444 : vector<128x2048xi32>
    %iota3A_446 = tpu.iota {dimensions = array<i32: 1>} : vector<128x2048xi32>
    %gt3A_447 = arith.constant 0.699999988 : f32
    %gt3A_448 = vector.broadcast %gt3A_447 : f32 to vector<128x2048xf32>
    %gt3A_449 = arith.cmpf ogt, %div3A_441, %gt3A_448 : vector<128x2048xf32>
    %gt3A_450 = arith.cmpi sgt, %iota3A_446, %add3A_445 : vector<128x2048xi32>
    %and3A_451 = arith.andi %gt3A_449, %gt3A_450 : vector<128x2048xi1>
    %convert_element_type3A_452 = arith.extui %and3A_451 : vector<128x2048xi1> to vector<128x2048xi32>
    %convert_element_type3A_453 = arith.sitofp %convert_element_type3A_452 : vector<128x2048xi32> to vector<128x2048xf32>
    %convert_element_type3A_454 = arith.truncf %convert_element_type3A_453 : vector<128x2048xf32> to vector<128x2048xbf16>
    %swap3A_455 = arith.constant 512 : index
    %swap3A_456 = arith.constant 0 : index
    %swap3A_457 = vector.load %arg5[%swap3A_455, %swap3A_456] : memref<2048x2048xbf16, #tpu.memory_space<vmem>>, vector<128x2048xbf16>
    tpu.vector_store %arg5[%swap3A_455, %swap3A_456], %convert_element_type3A_454 {strides = array<i32>} : memref<2048x2048xbf16, #tpu.memory_space<vmem>>, vector<128x2048xbf16>,
    %get3A_458 = arith.constant 0 : index
    %get3A_459 = arith.constant 640 : index
    %get3A_460 = arith.constant 0 : index
    %get3A_461 = vector.load %arg2[%get3A_458, %get3A_459, %get3A_460] : memref<1x2048x4xf32, #tpu.memory_space<vmem>>, vector<1x128x1xf32>
    %get3A_462 = vector.shape_cast %get3A_461 : vector<1x128x1xf32> to vector<128x1xf32>
    %get3A_463 = arith.constant 0 : index
    %get3A_464 = arith.constant 640 : index
    %get3A_465 = arith.constant 1 : index
    %get3A_466 = vector.load %arg2[%get3A_463, %get3A_464, %get3A_465] : memref<1x2048x4xf32, #tpu.memory_space<vmem>>, vector<1x128x1xf32>
    %get3A_467 = vector.shape_cast %get3A_466 : vector<1x128x1xf32> to vector<128x1xf32>
    %get3A_468 = arith.constant 0 : index
    %get3A_469 = arith.constant 640 : index
    %get3A_470 = arith.constant 2 : index
    %get3A_471 = vector.load %arg2[%get3A_468, %get3A_469, %get3A_470] : memref<1x2048x4xf32, #tpu.memory_space<vmem>>, vector<1x128x1xf32>
    %get3A_472 = vector.shape_cast %get3A_471 : vector<1x128x1xf32> to vector<128x1xf32>
    %get3A_473 = arith.constant 0 : index
    %get3A_474 = arith.constant 640 : index
    %get3A_475 = arith.constant 3 : index
    %get3A_476 = vector.load %arg2[%get3A_473, %get3A_474, %get3A_475] : memref<1x2048x4xf32, #tpu.memory_space<vmem>>, vector<1x128x1xf32>
    %get3A_477 = vector.shape_cast %get3A_476 : vector<1x128x1xf32> to vector<128x1xf32>
    %sub3A_478 = arith.subf %get3A_472, %get3A_462 : vector<128x1xf32>
    %add3A_479 = arith.constant 1.000000e+00 : f32
    %add3A_480 = vector.broadcast %add3A_479 : f32 to vector<128x1xf32>
    %add3A_481 = arith.addf %sub3A_478, %add3A_480 : vector<128x1xf32>
    %max3A_482 = arith.constant 0.000000e+00 : f32
    %max3A_483 = vector.broadcast %max3A_482 : f32 to vector<128x1xf32>
    %max3A_484 = arith.maximumf %add3A_481, %max3A_483 : vector<128x1xf32>
    %sub3A_485 = arith.subf %get3A_477, %get3A_467 : vector<128x1xf32>
    %add3A_486 = arith.constant 1.000000e+00 : f32
    %add3A_487 = vector.broadcast %add3A_486 : f32 to vector<128x1xf32>
    %add3A_488 = arith.addf %sub3A_485, %add3A_487 : vector<128x1xf32>
    %max3A_489 = arith.constant 0.000000e+00 : f32
    %max3A_490 = vector.broadcast %max3A_489 : f32 to vector<128x1xf32>
    %max3A_491 = arith.maximumf %add3A_488, %max3A_490 : vector<128x1xf32>
    %mul3A_492 = arith.mulf %max3A_484, %max3A_491 : vector<128x1xf32>
    %max3A_493 = vector.broadcast %get3A_462 : vector<128x1xf32> to vector<128x2048xf32>
    %max3A_494 = vector.broadcast %get3A_8 : vector<1x2048xf32> to vector<128x2048xf32>
    %max3A_495 = arith.maximumf %max3A_493, %max3A_494 : vector<128x2048xf32>
    %max3A_496 = vector.broadcast %get3A_467 : vector<128x1xf32> to vector<128x2048xf32>
    %max3A_497 = vector.broadcast %get3A_13 : vector<1x2048xf32> to vector<128x2048xf32>
    %max3A_498 = arith.maximumf %max3A_496, %max3A_497 : vector<128x2048xf32>
    %min3A_499 = vector.broadcast %get3A_472 : vector<128x1xf32> to vector<128x2048xf32>
    %min3A_500 = vector.broadcast %get3A_18 : vector<1x2048xf32> to vector<128x2048xf32>
    %min3A_501 = arith.minimumf %min3A_499, %min3A_500 : vector<128x2048xf32>
    %min3A_502 = vector.broadcast %get3A_477 : vector<128x1xf32> to vector<128x2048xf32>
    %min3A_503 = vector.broadcast %get3A_23 : vector<1x2048xf32> to vector<128x2048xf32>
    %min3A_504 = arith.minimumf %min3A_502, %min3A_503 : vector<128x2048xf32>
    %sub3A_505 = arith.subf %min3A_501, %max3A_495 : vector<128x2048xf32>
    %add3A_506 = arith.constant 1.000000e+00 : f32
    %add3A_507 = vector.broadcast %add3A_506 : f32 to vector<128x2048xf32>
    %add3A_508 = arith.addf %sub3A_505, %add3A_507 : vector<128x2048xf32>
    %max3A_509 = arith.constant 0.000000e+00 : f32
    %max3A_510 = vector.broadcast %max3A_509 : f32 to vector<128x2048xf32>
    %max3A_511 = arith.maximumf %add3A_508, %max3A_510 : vector<128x2048xf32>
    %sub3A_512 = arith.subf %min3A_504, %max3A_498 : vector<128x2048xf32>
    %add3A_513 = arith.constant 1.000000e+00 : f32
    %add3A_514 = vector.broadcast %add3A_513 : f32 to vector<128x2048xf32>
    %add3A_515 = arith.addf %sub3A_512, %add3A_514 : vector<128x2048xf32>
    %max3A_516 = arith.constant 0.000000e+00 : f32
    %max3A_517 = vector.broadcast %max3A_516 : f32 to vector<128x2048xf32>
    %max3A_518 = arith.maximumf %add3A_515, %max3A_517 : vector<128x2048xf32>
    %mul3A_519 = arith.mulf %max3A_511, %max3A_518 : vector<128x2048xf32>
    %add3A_520 = vector.broadcast %mul3A_492 : vector<128x1xf32> to vector<128x2048xf32>
    %add3A_521 = vector.broadcast %mul3A : vector<1x2048xf32> to vector<128x2048xf32>
    %add3A_522 = arith.addf %add3A_520, %add3A_521 : vector<128x2048xf32>
    %sub3A_523 = arith.subf %add3A_522, %mul3A_519 : vector<128x2048xf32>
    %add3A_524 = arith.constant 9.99999971E-10 : f32
    %add3A_525 = vector.broadcast %add3A_524 : f32 to vector<128x2048xf32>
    %add3A_526 = arith.addf %sub3A_523, %add3A_525 : vector<128x2048xf32>
    %div3A_527 = arith.divf %mul3A_519, %add3A_526 : vector<128x2048xf32>
    %iota3A_528 = tpu.iota {dimensions = array<i32: 0>} : vector<128x2048xi32>
    %add3A_529 = arith.constant 640 : i32
    %add3A_530 = vector.broadcast %add3A_529 : i32 to vector<128x2048xi32>
    %add3A_531 = arith.addi %iota3A_528, %add3A_530 : vector<128x2048xi32>
    %iota3A_532 = tpu.iota {dimensions = array<i32: 1>} : vector<128x2048xi32>
    %gt3A_533 = arith.constant 0.699999988 : f32
    %gt3A_534 = vector.broadcast %gt3A_533 : f32 to vector<128x2048xf32>
    %gt3A_535 = arith.cmpf ogt, %div3A_527, %gt3A_534 : vector<128x2048xf32>
    %gt3A_536 = arith.cmpi sgt, %iota3A_532, %add3A_531 : vector<128x2048xi32>
    %and3A_537 = arith.andi %gt3A_535, %gt3A_536 : vector<128x2048xi1>
    %convert_element_type3A_538 = arith.extui %and3A_537 : vector<128x2048xi1> to vector<128x2048xi32>
    %convert_element_type3A_539 = arith.sitofp %convert_element_type3A_538 : vector<128x2048xi32> to vector<128x2048xf32>
    %convert_element_type3A_540 = arith.truncf %convert_element_type3A_539 : vector<128x2048xf32> to vector<128x2048xbf16>
    %swap3A_541 = arith.constant 640 : index
    %swap3A_542 = arith.constant 0 : index
    %swap3A_543 = vector.load %arg5[%swap3A_541, %swap3A_542] : memref<2048x2048xbf16, #tpu.memory_space<vmem>>, vector<128x2048xbf16>
    tpu.vector_store %arg5[%swap3A_541, %swap3A_542], %convert_element_type3A_540 {strides = array<i32>} : memref<2048x2048xbf16, #tpu.memory_space<vmem>>, vector<128x2048xbf16>,
    %get3A_544 = arith.constant 0 : index
    %get3A_545 = arith.constant 768 : index
    %get3A_546 = arith.constant 0 : index
    %get3A_547 = vector.load %arg2[%get3A_544, %get3A_545, %get3A_546] : memref<1x2048x4xf32, #tpu.memory_space<vmem>>, vector<1x128x1xf32>
    %get3A_548 = vector.shape_cast %get3A_547 : vector<1x128x1xf32> to vector<128x1xf32>
    %get3A_549 = arith.constant 0 : index
    %get3A_550 = arith.constant 768 : index
    %get3A_551 = arith.constant 1 : index
    %get3A_552 = vector.load %arg2[%get3A_549, %get3A_550, %get3A_551] : memref<1x2048x4xf32, #tpu.memory_space<vmem>>, vector<1x128x1xf32>
    %get3A_553 = vector.shape_cast %get3A_552 : vector<1x128x1xf32> to vector<128x1xf32>
    %get3A_554 = arith.constant 0 : index
    %get3A_555 = arith.constant 768 : index
    %get3A_556 = arith.constant 2 : index
    %get3A_557 = vector.load %arg2[%get3A_554, %get3A_555, %get3A_556] : memref<1x2048x4xf32, #tpu.memory_space<vmem>>, vector<1x128x1xf32>
    %get3A_558 = vector.shape_cast %get3A_557 : vector<1x128x1xf32> to vector<128x1xf32>
    %get3A_559 = arith.constant 0 : index
    %get3A_560 = arith.constant 768 : index
    %get3A_561 = arith.constant 3 : index
    %get3A_562 = vector.load %arg2[%get3A_559, %get3A_560, %get3A_561] : memref<1x2048x4xf32, #tpu.memory_space<vmem>>, vector<1x128x1xf32>
    %get3A_563 = vector.shape_cast %get3A_562 : vector<1x128x1xf32> to vector<128x1xf32>
    %sub3A_564 = arith.subf %get3A_558, %get3A_548 : vector<128x1xf32>
    %add3A_565 = arith.constant 1.000000e+00 : f32
    %add3A_566 = vector.broadcast %add3A_565 : f32 to vector<128x1xf32>
    %add3A_567 = arith.addf %sub3A_564, %add3A_566 : vector<128x1xf32>
    %max3A_568 = arith.constant 0.000000e+00 : f32
    %max3A_569 = vector.broadcast %max3A_568 : f32 to vector<128x1xf32>
    %max3A_570 = arith.maximumf %add3A_567, %max3A_569 : vector<128x1xf32>
    %sub3A_571 = arith.subf %get3A_563, %get3A_553 : vector<128x1xf32>
    %add3A_572 = arith.constant 1.000000e+00 : f32
    %add3A_573 = vector.broadcast %add3A_572 : f32 to vector<128x1xf32>
    %add3A_574 = arith.addf %sub3A_571, %add3A_573 : vector<128x1xf32>
    %max3A_575 = arith.constant 0.000000e+00 : f32
    %max3A_576 = vector.broadcast %max3A_575 : f32 to vector<128x1xf32>
    %max3A_577 = arith.maximumf %add3A_574, %max3A_576 : vector<128x1xf32>
    %mul3A_578 = arith.mulf %max3A_570, %max3A_577 : vector<128x1xf32>
    %max3A_579 = vector.broadcast %get3A_548 : vector<128x1xf32> to vector<128x2048xf32>
    %max3A_580 = vector.broadcast %get3A_8 : vector<1x2048xf32> to vector<128x2048xf32>
    %max3A_581 = arith.maximumf %max3A_579, %max3A_580 : vector<128x2048xf32>
    %max3A_582 = vector.broadcast %get3A_553 : vector<128x1xf32> to vector<128x2048xf32>
    %max3A_583 = vector.broadcast %get3A_13 : vector<1x2048xf32> to vector<128x2048xf32>
    %max3A_584 = arith.maximumf %max3A_582, %max3A_583 : vector<128x2048xf32>
    %min3A_585 = vector.broadcast %get3A_558 : vector<128x1xf32> to vector<128x2048xf32>
    %min3A_586 = vector.broadcast %get3A_18 : vector<1x2048xf32> to vector<128x2048xf32>
    %min3A_587 = arith.minimumf %min3A_585, %min3A_586 : vector<128x2048xf32>
    %min3A_588 = vector.broadcast %get3A_563 : vector<128x1xf32> to vector<128x2048xf32>
    %min3A_589 = vector.broadcast %get3A_23 : vector<1x2048xf32> to vector<128x2048xf32>
    %min3A_590 = arith.minimumf %min3A_588, %min3A_589 : vector<128x2048xf32>
    %sub3A_591 = arith.subf %min3A_587, %max3A_581 : vector<128x2048xf32>
    %add3A_592 = arith.constant 1.000000e+00 : f32
    %add3A_593 = vector.broadcast %add3A_592 : f32 to vector<128x2048xf32>
    %add3A_594 = arith.addf %sub3A_591, %add3A_593 : vector<128x2048xf32>
    %max3A_595 = arith.constant 0.000000e+00 : f32
    %max3A_596 = vector.broadcast %max3A_595 : f32 to vector<128x2048xf32>
    %max3A_597 = arith.maximumf %add3A_594, %max3A_596 : vector<128x2048xf32>
    %sub3A_598 = arith.subf %min3A_590, %max3A_584 : vector<128x2048xf32>
    %add3A_599 = arith.constant 1.000000e+00 : f32
    %add3A_600 = vector.broadcast %add3A_599 : f32 to vector<128x2048xf32>
    %add3A_601 = arith.addf %sub3A_598, %add3A_600 : vector<128x2048xf32>
    %max3A_602 = arith.constant 0.000000e+00 : f32
    %max3A_603 = vector.broadcast %max3A_602 : f32 to vector<128x2048xf32>
    %max3A_604 = arith.maximumf %add3A_601, %max3A_603 : vector<128x2048xf32>
    %mul3A_605 = arith.mulf %max3A_597, %max3A_604 : vector<128x2048xf32>
    %add3A_606 = vector.broadcast %mul3A_578 : vector<128x1xf32> to vector<128x2048xf32>
    %add3A_607 = vector.broadcast %mul3A : vector<1x2048xf32> to vector<128x2048xf32>
    %add3A_608 = arith.addf %add3A_606, %add3A_607 : vector<128x2048xf32>
    %sub3A_609 = arith.subf %add3A_608, %mul3A_605 : vector<128x2048xf32>
    %add3A_610 = arith.constant 9.99999971E-10 : f32
    %add3A_611 = vector.broadcast %add3A_610 : f32 to vector<128x2048xf32>
    %add3A_612 = arith.addf %sub3A_609, %add3A_611 : vector<128x2048xf32>
    %div3A_613 = arith.divf %mul3A_605, %add3A_612 : vector<128x2048xf32>
    %iota3A_614 = tpu.iota {dimensions = array<i32: 0>} : vector<128x2048xi32>
    %add3A_615 = arith.constant 768 : i32
    %add3A_616 = vector.broadcast %add3A_615 : i32 to vector<128x2048xi32>
    %add3A_617 = arith.addi %iota3A_614, %add3A_616 : vector<128x2048xi32>
    %iota3A_618 = tpu.iota {dimensions = array<i32: 1>} : vector<128x2048xi32>
    %gt3A_619 = arith.constant 0.699999988 : f32
    %gt3A_620 = vector.broadcast %gt3A_619 : f32 to vector<128x2048xf32>
    %gt3A_621 = arith.cmpf ogt, %div3A_613, %gt3A_620 : vector<128x2048xf32>
    %gt3A_622 = arith.cmpi sgt, %iota3A_618, %add3A_617 : vector<128x2048xi32>
    %and3A_623 = arith.andi %gt3A_621, %gt3A_622 : vector<128x2048xi1>
    %convert_element_type3A_624 = arith.extui %and3A_623 : vector<128x2048xi1> to vector<128x2048xi32>
    %convert_element_type3A_625 = arith.sitofp %convert_element_type3A_624 : vector<128x2048xi32> to vector<128x2048xf32>
    %convert_element_type3A_626 = arith.truncf %convert_element_type3A_625 : vector<128x2048xf32> to vector<128x2048xbf16>
    %swap3A_627 = arith.constant 768 : index
    %swap3A_628 = arith.constant 0 : index
    %swap3A_629 = vector.load %arg5[%swap3A_627, %swap3A_628] : memref<2048x2048xbf16, #tpu.memory_space<vmem>>, vector<128x2048xbf16>
    tpu.vector_store %arg5[%swap3A_627, %swap3A_628], %convert_element_type3A_626 {strides = array<i32>} : memref<2048x2048xbf16, #tpu.memory_space<vmem>>, vector<128x2048xbf16>,
    %get3A_630 = arith.constant 0 : index
    %get3A_631 = arith.constant 896 : index
    %get3A_632 = arith.constant 0 : index
    %get3A_633 = vector.load %arg2[%get3A_630, %get3A_631, %get3A_632] : memref<1x2048x4xf32, #tpu.memory_space<vmem>>, vector<1x128x1xf32>
    %get3A_634 = vector.shape_cast %get3A_633 : vector<1x128x1xf32> to vector<128x1xf32>
    %get3A_635 = arith.constant 0 : index
    %get3A_636 = arith.constant 896 : index
    %get3A_637 = arith.constant 1 : index
    %get3A_638 = vector.load %arg2[%get3A_635, %get3A_636, %get3A_637] : memref<1x2048x4xf32, #tpu.memory_space<vmem>>, vector<1x128x1xf32>
    %get3A_639 = vector.shape_cast %get3A_638 : vector<1x128x1xf32> to vector<128x1xf32>
    %get3A_640 = arith.constant 0 : index
    %get3A_641 = arith.constant 896 : index
    %get3A_642 = arith.constant 2 : index
    %get3A_643 = vector.load %arg2[%get3A_640, %get3A_641, %get3A_642] : memref<1x2048x4xf32, #tpu.memory_space<vmem>>, vector<1x128x1xf32>
    %get3A_644 = vector.shape_cast %get3A_643 : vector<1x128x1xf32> to vector<128x1xf32>
    %get3A_645 = arith.constant 0 : index
    %get3A_646 = arith.constant 896 : index
    %get3A_647 = arith.constant 3 : index
    %get3A_648 = vector.load %arg2[%get3A_645, %get3A_646, %get3A_647] : memref<1x2048x4xf32, #tpu.memory_space<vmem>>, vector<1x128x1xf32>
    %get3A_649 = vector.shape_cast %get3A_648 : vector<1x128x1xf32> to vector<128x1xf32>
    %sub3A_650 = arith.subf %get3A_644, %get3A_634 : vector<128x1xf32>
    %add3A_651 = arith.constant 1.000000e+00 : f32
    %add3A_652 = vector.broadcast %add3A_651 : f32 to vector<128x1xf32>
    %add3A_653 = arith.addf %sub3A_650, %add3A_652 : vector<128x1xf32>
    %max3A_654 = arith.constant 0.000000e+00 : f32
    %max3A_655 = vector.broadcast %max3A_654 : f32 to vector<128x1xf32>
    %max3A_656 = arith.maximumf %add3A_653, %max3A_655 : vector<128x1xf32>
    %sub3A_657 = arith.subf %get3A_649, %get3A_639 : vector<128x1xf32>
    %add3A_658 = arith.constant 1.000000e+00 : f32
    %add3A_659 = vector.broadcast %add3A_658 : f32 to vector<128x1xf32>
    %add3A_660 = arith.addf %sub3A_657, %add3A_659 : vector<128x1xf32>
    %max3A_661 = arith.constant 0.000000e+00 : f32
    %max3A_662 = vector.broadcast %max3A_661 : f32 to vector<128x1xf32>
    %max3A_663 = arith.maximumf %add3A_660, %max3A_662 : vector<128x1xf32>
    %mul3A_664 = arith.mulf %max3A_656, %max3A_663 : vector<128x1xf32>
    %max3A_665 = vector.broadcast %get3A_634 : vector<128x1xf32> to vector<128x2048xf32>
    %max3A_666 = vector.broadcast %get3A_8 : vector<1x2048xf32> to vector<128x2048xf32>
    %max3A_667 = arith.maximumf %max3A_665, %max3A_666 : vector<128x2048xf32>
    %max3A_668 = vector.broadcast %get3A_639 : vector<128x1xf32> to vector<128x2048xf32>
    %max3A_669 = vector.broadcast %get3A_13 : vector<1x2048xf32> to vector<128x2048xf32>
    %max3A_670 = arith.maximumf %max3A_668, %max3A_669 : vector<128x2048xf32>
    %min3A_671 = vector.broadcast %get3A_644 : vector<128x1xf32> to vector<128x2048xf32>
    %min3A_672 = vector.broadcast %get3A_18 : vector<1x2048xf32> to vector<128x2048xf32>
    %min3A_673 = arith.minimumf %min3A_671, %min3A_672 : vector<128x2048xf32>
    %min3A_674 = vector.broadcast %get3A_649 : vector<128x1xf32> to vector<128x2048xf32>
    %min3A_675 = vector.broadcast %get3A_23 : vector<1x2048xf32> to vector<128x2048xf32>
    %min3A_676 = arith.minimumf %min3A_674, %min3A_675 : vector<128x2048xf32>
    %sub3A_677 = arith.subf %min3A_673, %max3A_667 : vector<128x2048xf32>
    %add3A_678 = arith.constant 1.000000e+00 : f32
    %add3A_679 = vector.broadcast %add3A_678 : f32 to vector<128x2048xf32>
    %add3A_680 = arith.addf %sub3A_677, %add3A_679 : vector<128x2048xf32>
    %max3A_681 = arith.constant 0.000000e+00 : f32
    %max3A_682 = vector.broadcast %max3A_681 : f32 to vector<128x2048xf32>
    %max3A_683 = arith.maximumf %add3A_680, %max3A_682 : vector<128x2048xf32>
    %sub3A_684 = arith.subf %min3A_676, %max3A_670 : vector<128x2048xf32>
    %add3A_685 = arith.constant 1.000000e+00 : f32
    %add3A_686 = vector.broadcast %add3A_685 : f32 to vector<128x2048xf32>
    %add3A_687 = arith.addf %sub3A_684, %add3A_686 : vector<128x2048xf32>
    %max3A_688 = arith.constant 0.000000e+00 : f32
    %max3A_689 = vector.broadcast %max3A_688 : f32 to vector<128x2048xf32>
    %max3A_690 = arith.maximumf %add3A_687, %max3A_689 : vector<128x2048xf32>
    %mul3A_691 = arith.mulf %max3A_683, %max3A_690 : vector<128x2048xf32>
    %add3A_692 = vector.broadcast %mul3A_664 : vector<128x1xf32> to vector<128x2048xf32>
    %add3A_693 = vector.broadcast %mul3A : vector<1x2048xf32> to vector<128x2048xf32>
    %add3A_694 = arith.addf %add3A_692, %add3A_693 : vector<128x2048xf32>
    %sub3A_695 = arith.subf %add3A_694, %mul3A_691 : vector<128x2048xf32>
    %add3A_696 = arith.constant 9.99999971E-10 : f32
    %add3A_697 = vector.broadcast %add3A_696 : f32 to vector<128x2048xf32>
    %add3A_698 = arith.addf %sub3A_695, %add3A_697 : vector<128x2048xf32>
    %div3A_699 = arith.divf %mul3A_691, %add3A_698 : vector<128x2048xf32>
    %iota3A_700 = tpu.iota {dimensions = array<i32: 0>} : vector<128x2048xi32>
    %add3A_701 = arith.constant 896 : i32
    %add3A_702 = vector.broadcast %add3A_701 : i32 to vector<128x2048xi32>
    %add3A_703 = arith.addi %iota3A_700, %add3A_702 : vector<128x2048xi32>
    %iota3A_704 = tpu.iota {dimensions = array<i32: 1>} : vector<128x2048xi32>
    %gt3A_705 = arith.constant 0.699999988 : f32
    %gt3A_706 = vector.broadcast %gt3A_705 : f32 to vector<128x2048xf32>
    %gt3A_707 = arith.cmpf ogt, %div3A_699, %gt3A_706 : vector<128x2048xf32>
    %gt3A_708 = arith.cmpi sgt, %iota3A_704, %add3A_703 : vector<128x2048xi32>
    %and3A_709 = arith.andi %gt3A_707, %gt3A_708 : vector<128x2048xi1>
    %convert_element_type3A_710 = arith.extui %and3A_709 : vector<128x2048xi1> to vector<128x2048xi32>
    %convert_element_type3A_711 = arith.sitofp %convert_element_type3A_710 : vector<128x2048xi32> to vector<128x2048xf32>
    %convert_element_type3A_712 = arith.truncf %convert_element_type3A_711 : vector<128x2048xf32> to vector<128x2048xbf16>
    %swap3A_713 = arith.constant 896 : index
    %swap3A_714 = arith.constant 0 : index
    %swap3A_715 = vector.load %arg5[%swap3A_713, %swap3A_714] : memref<2048x2048xbf16, #tpu.memory_space<vmem>>, vector<128x2048xbf16>
    tpu.vector_store %arg5[%swap3A_713, %swap3A_714], %convert_element_type3A_712 {strides = array<i32>} : memref<2048x2048xbf16, #tpu.memory_space<vmem>>, vector<128x2048xbf16>,
    %get3A_716 = arith.constant 0 : index
    %get3A_717 = arith.constant 1024 : index
    %get3A_718 = arith.constant 0 : index
    %get3A_719 = vector.load %arg2[%get3A_716, %get3A_717, %get3A_718] : memref<1x2048x4xf32, #tpu.memory_space<vmem>>, vector<1x128x1xf32>
    %get3A_720 = vector.shape_cast %get3A_719 : vector<1x128x1xf32> to vector<128x1xf32>
    %get3A_721 = arith.constant 0 : index
    %get3A_722 = arith.constant 1024 : index
    %get3A_723 = arith.constant 1 : index
    %get3A_724 = vector.load %arg2[%get3A_721, %get3A_722, %get3A_723] : memref<1x2048x4xf32, #tpu.memory_space<vmem>>, vector<1x128x1xf32>
    %get3A_725 = vector.shape_cast %get3A_724 : vector<1x128x1xf32> to vector<128x1xf32>
    %get3A_726 = arith.constant 0 : index
    %get3A_727 = arith.constant 1024 : index
    %get3A_728 = arith.constant 2 : index
    %get3A_729 = vector.load %arg2[%get3A_726, %get3A_727, %get3A_728] : memref<1x2048x4xf32, #tpu.memory_space<vmem>>, vector<1x128x1xf32>
    %get3A_730 = vector.shape_cast %get3A_729 : vector<1x128x1xf32> to vector<128x1xf32>
    %get3A_731 = arith.constant 0 : index
    %get3A_732 = arith.constant 1024 : index
    %get3A_733 = arith.constant 3 : index
    %get3A_734 = vector.load %arg2[%get3A_731, %get3A_732, %get3A_733] : memref<1x2048x4xf32, #tpu.memory_space<vmem>>, vector<1x128x1xf32>
    %get3A_735 = vector.shape_cast %get3A_734 : vector<1x128x1xf32> to vector<128x1xf32>
    %sub3A_736 = arith.subf %get3A_730, %get3A_720 : vector<128x1xf32>
    %add3A_737 = arith.constant 1.000000e+00 : f32
    %add3A_738 = vector.broadcast %add3A_737 : f32 to vector<128x1xf32>
    %add3A_739 = arith.addf %sub3A_736, %add3A_738 : vector<128x1xf32>
    %max3A_740 = arith.constant 0.000000e+00 : f32
    %max3A_741 = vector.broadcast %max3A_740 : f32 to vector<128x1xf32>
    %max3A_742 = arith.maximumf %add3A_739, %max3A_741 : vector<128x1xf32>
    %sub3A_743 = arith.subf %get3A_735, %get3A_725 : vector<128x1xf32>
    %add3A_744 = arith.constant 1.000000e+00 : f32
    %add3A_745 = vector.broadcast %add3A_744 : f32 to vector<128x1xf32>
    %add3A_746 = arith.addf %sub3A_743, %add3A_745 : vector<128x1xf32>
    %max3A_747 = arith.constant 0.000000e+00 : f32
    %max3A_748 = vector.broadcast %max3A_747 : f32 to vector<128x1xf32>
    %max3A_749 = arith.maximumf %add3A_746, %max3A_748 : vector<128x1xf32>
    %mul3A_750 = arith.mulf %max3A_742, %max3A_749 : vector<128x1xf32>
    %max3A_751 = vector.broadcast %get3A_720 : vector<128x1xf32> to vector<128x2048xf32>
    %max3A_752 = vector.broadcast %get3A_8 : vector<1x2048xf32> to vector<128x2048xf32>
    %max3A_753 = arith.maximumf %max3A_751, %max3A_752 : vector<128x2048xf32>
    %max3A_754 = vector.broadcast %get3A_725 : vector<128x1xf32> to vector<128x2048xf32>
    %max3A_755 = vector.broadcast %get3A_13 : vector<1x2048xf32> to vector<128x2048xf32>
    %max3A_756 = arith.maximumf %max3A_754, %max3A_755 : vector<128x2048xf32>
    %min3A_757 = vector.broadcast %get3A_730 : vector<128x1xf32> to vector<128x2048xf32>
    %min3A_758 = vector.broadcast %get3A_18 : vector<1x2048xf32> to vector<128x2048xf32>
    %min3A_759 = arith.minimumf %min3A_757, %min3A_758 : vector<128x2048xf32>
    %min3A_760 = vector.broadcast %get3A_735 : vector<128x1xf32> to vector<128x2048xf32>
    %min3A_761 = vector.broadcast %get3A_23 : vector<1x2048xf32> to vector<128x2048xf32>
    %min3A_762 = arith.minimumf %min3A_760, %min3A_761 : vector<128x2048xf32>
    %sub3A_763 = arith.subf %min3A_759, %max3A_753 : vector<128x2048xf32>
    %add3A_764 = arith.constant 1.000000e+00 : f32
    %add3A_765 = vector.broadcast %add3A_764 : f32 to vector<128x2048xf32>
    %add3A_766 = arith.addf %sub3A_763, %add3A_765 : vector<128x2048xf32>
    %max3A_767 = arith.constant 0.000000e+00 : f32
    %max3A_768 = vector.broadcast %max3A_767 : f32 to vector<128x2048xf32>
    %max3A_769 = arith.maximumf %add3A_766, %max3A_768 : vector<128x2048xf32>
    %sub3A_770 = arith.subf %min3A_762, %max3A_756 : vector<128x2048xf32>
    %add3A_771 = arith.constant 1.000000e+00 : f32
    %add3A_772 = vector.broadcast %add3A_771 : f32 to vector<128x2048xf32>
    %add3A_773 = arith.addf %sub3A_770, %add3A_772 : vector<128x2048xf32>
    %max3A_774 = arith.constant 0.000000e+00 : f32
    %max3A_775 = vector.broadcast %max3A_774 : f32 to vector<128x2048xf32>
    %max3A_776 = arith.maximumf %add3A_773, %max3A_775 : vector<128x2048xf32>
    %mul3A_777 = arith.mulf %max3A_769, %max3A_776 : vector<128x2048xf32>
    %add3A_778 = vector.broadcast %mul3A_750 : vector<128x1xf32> to vector<128x2048xf32>
    %add3A_779 = vector.broadcast %mul3A : vector<1x2048xf32> to vector<128x2048xf32>
    %add3A_780 = arith.addf %add3A_778, %add3A_779 : vector<128x2048xf32>
    %sub3A_781 = arith.subf %add3A_780, %mul3A_777 : vector<128x2048xf32>
    %add3A_782 = arith.constant 9.99999971E-10 : f32
    %add3A_783 = vector.broadcast %add3A_782 : f32 to vector<128x2048xf32>
    %add3A_784 = arith.addf %sub3A_781, %add3A_783 : vector<128x2048xf32>
    %div3A_785 = arith.divf %mul3A_777, %add3A_784 : vector<128x2048xf32>
    %iota3A_786 = tpu.iota {dimensions = array<i32: 0>} : vector<128x2048xi32>
    %add3A_787 = arith.constant 1024 : i32
    %add3A_788 = vector.broadcast %add3A_787 : i32 to vector<128x2048xi32>
    %add3A_789 = arith.addi %iota3A_786, %add3A_788 : vector<128x2048xi32>
    %iota3A_790 = tpu.iota {dimensions = array<i32: 1>} : vector<128x2048xi32>
    %gt3A_791 = arith.constant 0.699999988 : f32
    %gt3A_792 = vector.broadcast %gt3A_791 : f32 to vector<128x2048xf32>
    %gt3A_793 = arith.cmpf ogt, %div3A_785, %gt3A_792 : vector<128x2048xf32>
    %gt3A_794 = arith.cmpi sgt, %iota3A_790, %add3A_789 : vector<128x2048xi32>
    %and3A_795 = arith.andi %gt3A_793, %gt3A_794 : vector<128x2048xi1>
    %convert_element_type3A_796 = arith.extui %and3A_795 : vector<128x2048xi1> to vector<128x2048xi32>
    %convert_element_type3A_797 = arith.sitofp %convert_element_type3A_796 : vector<128x2048xi32> to vector<128x2048xf32>
    %convert_element_type3A_798 = arith.truncf %convert_element_type3A_797 : vector<128x2048xf32> to vector<128x2048xbf16>
    %swap3A_799 = arith.constant 1024 : index
    %swap3A_800 = arith.constant 0 : index
    %swap3A_801 = vector.load %arg5[%swap3A_799, %swap3A_800] : memref<2048x2048xbf16, #tpu.memory_space<vmem>>, vector<128x2048xbf16>
    tpu.vector_store %arg5[%swap3A_799, %swap3A_800], %convert_element_type3A_798 {strides = array<i32>} : memref<2048x2048xbf16, #tpu.memory_space<vmem>>, vector<128x2048xbf16>,
    %get3A_802 = arith.constant 0 : index
    %get3A_803 = arith.constant 1152 : index
    %get3A_804 = arith.constant 0 : index
    %get3A_805 = vector.load %arg2[%get3A_802, %get3A_803, %get3A_804] : memref<1x2048x4xf32, #tpu.memory_space<vmem>>, vector<1x128x1xf32>
    %get3A_806 = vector.shape_cast %get3A_805 : vector<1x128x1xf32> to vector<128x1xf32>
    %get3A_807 = arith.constant 0 : index
    %get3A_808 = arith.constant 1152 : index
    %get3A_809 = arith.constant 1 : index
    %get3A_810 = vector.load %arg2[%get3A_807, %get3A_808, %get3A_809] : memref<1x2048x4xf32, #tpu.memory_space<vmem>>, vector<1x128x1xf32>
    %get3A_811 = vector.shape_cast %get3A_810 : vector<1x128x1xf32> to vector<128x1xf32>
    %get3A_812 = arith.constant 0 : index
    %get3A_813 = arith.constant 1152 : index
    %get3A_814 = arith.constant 2 : index
    %get3A_815 = vector.load %arg2[%get3A_812, %get3A_813, %get3A_814] : memref<1x2048x4xf32, #tpu.memory_space<vmem>>, vector<1x128x1xf32>
    %get3A_816 = vector.shape_cast %get3A_815 : vector<1x128x1xf32> to vector<128x1xf32>
    %get3A_817 = arith.constant 0 : index
    %get3A_818 = arith.constant 1152 : index
    %get3A_819 = arith.constant 3 : index
    %get3A_820 = vector.load %arg2[%get3A_817, %get3A_818, %get3A_819] : memref<1x2048x4xf32, #tpu.memory_space<vmem>>, vector<1x128x1xf32>
    %get3A_821 = vector.shape_cast %get3A_820 : vector<1x128x1xf32> to vector<128x1xf32>
    %sub3A_822 = arith.subf %get3A_816, %get3A_806 : vector<128x1xf32>
    %add3A_823 = arith.constant 1.000000e+00 : f32
    %add3A_824 = vector.broadcast %add3A_823 : f32 to vector<128x1xf32>
    %add3A_825 = arith.addf %sub3A_822, %add3A_824 : vector<128x1xf32>
    %max3A_826 = arith.constant 0.000000e+00 : f32
    %max3A_827 = vector.broadcast %max3A_826 : f32 to vector<128x1xf32>
    %max3A_828 = arith.maximumf %add3A_825, %max3A_827 : vector<128x1xf32>
    %sub3A_829 = arith.subf %get3A_821, %get3A_811 : vector<128x1xf32>
    %add3A_830 = arith.constant 1.000000e+00 : f32
    %add3A_831 = vector.broadcast %add3A_830 : f32 to vector<128x1xf32>
    %add3A_832 = arith.addf %sub3A_829, %add3A_831 : vector<128x1xf32>
    %max3A_833 = arith.constant 0.000000e+00 : f32
    %max3A_834 = vector.broadcast %max3A_833 : f32 to vector<128x1xf32>
    %max3A_835 = arith.maximumf %add3A_832, %max3A_834 : vector<128x1xf32>
    %mul3A_836 = arith.mulf %max3A_828, %max3A_835 : vector<128x1xf32>
    %max3A_837 = vector.broadcast %get3A_806 : vector<128x1xf32> to vector<128x2048xf32>
    %max3A_838 = vector.broadcast %get3A_8 : vector<1x2048xf32> to vector<128x2048xf32>
    %max3A_839 = arith.maximumf %max3A_837, %max3A_838 : vector<128x2048xf32>
    %max3A_840 = vector.broadcast %get3A_811 : vector<128x1xf32> to vector<128x2048xf32>
    %max3A_841 = vector.broadcast %get3A_13 : vector<1x2048xf32> to vector<128x2048xf32>
    %max3A_842 = arith.maximumf %max3A_840, %max3A_841 : vector<128x2048xf32>
    %min3A_843 = vector.broadcast %get3A_816 : vector<128x1xf32> to vector<128x2048xf32>
    %min3A_844 = vector.broadcast %get3A_18 : vector<1x2048xf32> to vector<128x2048xf32>
    %min3A_845 = arith.minimumf %min3A_843, %min3A_844 : vector<128x2048xf32>
    %min3A_846 = vector.broadcast %get3A_821 : vector<128x1xf32> to vector<128x2048xf32>
    %min3A_847 = vector.broadcast %get3A_23 : vector<1x2048xf32> to vector<128x2048xf32>
    %min3A_848 = arith.minimumf %min3A_846, %min3A_847 : vector<128x2048xf32>
    %sub3A_849 = arith.subf %min3A_845, %max3A_839 : vector<128x2048xf32>
    %add3A_850 = arith.constant 1.000000e+00 : f32
    %add3A_851 = vector.broadcast %add3A_850 : f32 to vector<128x2048xf32>
    %add3A_852 = arith.addf %sub3A_849, %add3A_851 : vector<128x2048xf32>
    %max3A_853 = arith.constant 0.000000e+00 : f32
    %max3A_854 = vector.broadcast %max3A_853 : f32 to vector<128x2048xf32>
    %max3A_855 = arith.maximumf %add3A_852, %max3A_854 : vector<128x2048xf32>
    %sub3A_856 = arith.subf %min3A_848, %max3A_842 : vector<128x2048xf32>
    %add3A_857 = arith.constant 1.000000e+00 : f32
    %add3A_858 = vector.broadcast %add3A_857 : f32 to vector<128x2048xf32>
    %add3A_859 = arith.addf %sub3A_856, %add3A_858 : vector<128x2048xf32>
    %max3A_860 = arith.constant 0.000000e+00 : f32
    %max3A_861 = vector.broadcast %max3A_860 : f32 to vector<128x2048xf32>
    %max3A_862 = arith.maximumf %add3A_859, %max3A_861 : vector<128x2048xf32>
    %mul3A_863 = arith.mulf %max3A_855, %max3A_862 : vector<128x2048xf32>
    %add3A_864 = vector.broadcast %mul3A_836 : vector<128x1xf32> to vector<128x2048xf32>
    %add3A_865 = vector.broadcast %mul3A : vector<1x2048xf32> to vector<128x2048xf32>
    %add3A_866 = arith.addf %add3A_864, %add3A_865 : vector<128x2048xf32>
    %sub3A_867 = arith.subf %add3A_866, %mul3A_863 : vector<128x2048xf32>
    %add3A_868 = arith.constant 9.99999971E-10 : f32
    %add3A_869 = vector.broadcast %add3A_868 : f32 to vector<128x2048xf32>
    %add3A_870 = arith.addf %sub3A_867, %add3A_869 : vector<128x2048xf32>
    %div3A_871 = arith.divf %mul3A_863, %add3A_870 : vector<128x2048xf32>
    %iota3A_872 = tpu.iota {dimensions = array<i32: 0>} : vector<128x2048xi32>
    %add3A_873 = arith.constant 1152 : i32
    %add3A_874 = vector.broadcast %add3A_873 : i32 to vector<128x2048xi32>
    %add3A_875 = arith.addi %iota3A_872, %add3A_874 : vector<128x2048xi32>
    %iota3A_876 = tpu.iota {dimensions = array<i32: 1>} : vector<128x2048xi32>
    %gt3A_877 = arith.constant 0.699999988 : f32
    %gt3A_878 = vector.broadcast %gt3A_877 : f32 to vector<128x2048xf32>
    %gt3A_879 = arith.cmpf ogt, %div3A_871, %gt3A_878 : vector<128x2048xf32>
    %gt3A_880 = arith.cmpi sgt, %iota3A_876, %add3A_875 : vector<128x2048xi32>
    %and3A_881 = arith.andi %gt3A_879, %gt3A_880 : vector<128x2048xi1>
    %convert_element_type3A_882 = arith.extui %and3A_881 : vector<128x2048xi1> to vector<128x2048xi32>
    %convert_element_type3A_883 = arith.sitofp %convert_element_type3A_882 : vector<128x2048xi32> to vector<128x2048xf32>
    %convert_element_type3A_884 = arith.truncf %convert_element_type3A_883 : vector<128x2048xf32> to vector<128x2048xbf16>
    %swap3A_885 = arith.constant 1152 : index
    %swap3A_886 = arith.constant 0 : index
    %swap3A_887 = vector.load %arg5[%swap3A_885, %swap3A_886] : memref<2048x2048xbf16, #tpu.memory_space<vmem>>, vector<128x2048xbf16>
    tpu.vector_store %arg5[%swap3A_885, %swap3A_886], %convert_element_type3A_884 {strides = array<i32>} : memref<2048x2048xbf16, #tpu.memory_space<vmem>>, vector<128x2048xbf16>,
    %get3A_888 = arith.constant 0 : index
    %get3A_889 = arith.constant 1280 : index
    %get3A_890 = arith.constant 0 : index
    %get3A_891 = vector.load %arg2[%get3A_888, %get3A_889, %get3A_890] : memref<1x2048x4xf32, #tpu.memory_space<vmem>>, vector<1x128x1xf32>
    %get3A_892 = vector.shape_cast %get3A_891 : vector<1x128x1xf32> to vector<128x1xf32>
    %get3A_893 = arith.constant 0 : index
    %get3A_894 = arith.constant 1280 : index
    %get3A_895 = arith.constant 1 : index
    %get3A_896 = vector.load %arg2[%get3A_893, %get3A_894, %get3A_895] : memref<1x2048x4xf32, #tpu.memory_space<vmem>>, vector<1x128x1xf32>
    %get3A_897 = vector.shape_cast %get3A_896 : vector<1x128x1xf32> to vector<128x1xf32>
    %get3A_898 = arith.constant 0 : index
    %get3A_899 = arith.constant 1280 : index
    %get3A_900 = arith.constant 2 : index
    %get3A_901 = vector.load %arg2[%get3A_898, %get3A_899, %get3A_900] : memref<1x2048x4xf32, #tpu.memory_space<vmem>>, vector<1x128x1xf32>
    %get3A_902 = vector.shape_cast %get3A_901 : vector<1x128x1xf32> to vector<128x1xf32>
    %get3A_903 = arith.constant 0 : index
    %get3A_904 = arith.constant 1280 : index
    %get3A_905 = arith.constant 3 : index
    %get3A_906 = vector.load %arg2[%get3A_903, %get3A_904, %get3A_905] : memref<1x2048x4xf32, #tpu.memory_space<vmem>>, vector<1x128x1xf32>
    %get3A_907 = vector.shape_cast %get3A_906 : vector<1x128x1xf32> to vector<128x1xf32>
    %sub3A_908 = arith.subf %get3A_902, %get3A_892 : vector<128x1xf32>
    %add3A_909 = arith.constant 1.000000e+00 : f32
    %add3A_910 = vector.broadcast %add3A_909 : f32 to vector<128x1xf32>
    %add3A_911 = arith.addf %sub3A_908, %add3A_910 : vector<128x1xf32>
    %max3A_912 = arith.constant 0.000000e+00 : f32
    %max3A_913 = vector.broadcast %max3A_912 : f32 to vector<128x1xf32>
    %max3A_914 = arith.maximumf %add3A_911, %max3A_913 : vector<128x1xf32>
    %sub3A_915 = arith.subf %get3A_907, %get3A_897 : vector<128x1xf32>
    %add3A_916 = arith.constant 1.000000e+00 : f32
    %add3A_917 = vector.broadcast %add3A_916 : f32 to vector<128x1xf32>
    %add3A_918 = arith.addf %sub3A_915, %add3A_917 : vector<128x1xf32>
    %max3A_919 = arith.constant 0.000000e+00 : f32
    %max3A_920 = vector.broadcast %max3A_919 : f32 to vector<128x1xf32>
    %max3A_921 = arith.maximumf %add3A_918, %max3A_920 : vector<128x1xf32>
    %mul3A_922 = arith.mulf %max3A_914, %max3A_921 : vector<128x1xf32>
    %max3A_923 = vector.broadcast %get3A_892 : vector<128x1xf32> to vector<128x2048xf32>
    %max3A_924 = vector.broadcast %get3A_8 : vector<1x2048xf32> to vector<128x2048xf32>
    %max3A_925 = arith.maximumf %max3A_923, %max3A_924 : vector<128x2048xf32>
    %max3A_926 = vector.broadcast %get3A_897 : vector<128x1xf32> to vector<128x2048xf32>
    %max3A_927 = vector.broadcast %get3A_13 : vector<1x2048xf32> to vector<128x2048xf32>
    %max3A_928 = arith.maximumf %max3A_926, %max3A_927 : vector<128x2048xf32>
    %min3A_929 = vector.broadcast %get3A_902 : vector<128x1xf32> to vector<128x2048xf32>
    %min3A_930 = vector.broadcast %get3A_18 : vector<1x2048xf32> to vector<128x2048xf32>
    %min3A_931 = arith.minimumf %min3A_929, %min3A_930 : vector<128x2048xf32>
    %min3A_932 = vector.broadcast %get3A_907 : vector<128x1xf32> to vector<128x2048xf32>
    %min3A_933 = vector.broadcast %get3A_23 : vector<1x2048xf32> to vector<128x2048xf32>
    %min3A_934 = arith.minimumf %min3A_932, %min3A_933 : vector<128x2048xf32>
    %sub3A_935 = arith.subf %min3A_931, %max3A_925 : vector<128x2048xf32>
    %add3A_936 = arith.constant 1.000000e+00 : f32
    %add3A_937 = vector.broadcast %add3A_936 : f32 to vector<128x2048xf32>
    %add3A_938 = arith.addf %sub3A_935, %add3A_937 : vector<128x2048xf32>
    %max3A_939 = arith.constant 0.000000e+00 : f32
    %max3A_940 = vector.broadcast %max3A_939 : f32 to vector<128x2048xf32>
    %max3A_941 = arith.maximumf %add3A_938, %max3A_940 : vector<128x2048xf32>
    %sub3A_942 = arith.subf %min3A_934, %max3A_928 : vector<128x2048xf32>
    %add3A_943 = arith.constant 1.000000e+00 : f32
    %add3A_944 = vector.broadcast %add3A_943 : f32 to vector<128x2048xf32>
    %add3A_945 = arith.addf %sub3A_942, %add3A_944 : vector<128x2048xf32>
    %max3A_946 = arith.constant 0.000000e+00 : f32
    %max3A_947 = vector.broadcast %max3A_946 : f32 to vector<128x2048xf32>
    %max3A_948 = arith.maximumf %add3A_945, %max3A_947 : vector<128x2048xf32>
    %mul3A_949 = arith.mulf %max3A_941, %max3A_948 : vector<128x2048xf32>
    %add3A_950 = vector.broadcast %mul3A_922 : vector<128x1xf32> to vector<128x2048xf32>
    %add3A_951 = vector.broadcast %mul3A : vector<1x2048xf32> to vector<128x2048xf32>
    %add3A_952 = arith.addf %add3A_950, %add3A_951 : vector<128x2048xf32>
    %sub3A_953 = arith.subf %add3A_952, %mul3A_949 : vector<128x2048xf32>
    %add3A_954 = arith.constant 9.99999971E-10 : f32
    %add3A_955 = vector.broadcast %add3A_954 : f32 to vector<128x2048xf32>
    %add3A_956 = arith.addf %sub3A_953, %add3A_955 : vector<128x2048xf32>
    %div3A_957 = arith.divf %mul3A_949, %add3A_956 : vector<128x2048xf32>
    %iota3A_958 = tpu.iota {dimensions = array<i32: 0>} : vector<128x2048xi32>
    %add3A_959 = arith.constant 1280 : i32
    %add3A_960 = vector.broadcast %add3A_959 : i32 to vector<128x2048xi32>
    %add3A_961 = arith.addi %iota3A_958, %add3A_960 : vector<128x2048xi32>
    %iota3A_962 = tpu.iota {dimensions = array<i32: 1>} : vector<128x2048xi32>
    %gt3A_963 = arith.constant 0.699999988 : f32
    %gt3A_964 = vector.broadcast %gt3A_963 : f32 to vector<128x2048xf32>
    %gt3A_965 = arith.cmpf ogt, %div3A_957, %gt3A_964 : vector<128x2048xf32>
    %gt3A_966 = arith.cmpi sgt, %iota3A_962, %add3A_961 : vector<128x2048xi32>
    %and3A_967 = arith.andi %gt3A_965, %gt3A_966 : vector<128x2048xi1>
    %convert_element_type3A_968 = arith.extui %and3A_967 : vector<128x2048xi1> to vector<128x2048xi32>
    %convert_element_type3A_969 = arith.sitofp %convert_element_type3A_968 : vector<128x2048xi32> to vector<128x2048xf32>
    %convert_element_type3A_970 = arith.truncf %convert_element_type3A_969 : vector<128x2048xf32> to vector<128x2048xbf16>
    %swap3A_971 = arith.constant 1280 : index
    %swap3A_972 = arith.constant 0 : index
    %swap3A_973 = vector.load %arg5[%swap3A_971, %swap3A_972] : memref<2048x2048xbf16, #tpu.memory_space<vmem>>, vector<128x2048xbf16>
    tpu.vector_store %arg5[%swap3A_971, %swap3A_972], %convert_element_type3A_970 {strides = array<i32>} : memref<2048x2048xbf16, #tpu.memory_space<vmem>>, vector<128x2048xbf16>,
    %get3A_974 = arith.constant 0 : index
    %get3A_975 = arith.constant 1408 : index
    %get3A_976 = arith.constant 0 : index
    %get3A_977 = vector.load %arg2[%get3A_974, %get3A_975, %get3A_976] : memref<1x2048x4xf32, #tpu.memory_space<vmem>>, vector<1x128x1xf32>
    %get3A_978 = vector.shape_cast %get3A_977 : vector<1x128x1xf32> to vector<128x1xf32>
    %get3A_979 = arith.constant 0 : index
    %get3A_980 = arith.constant 1408 : index
    %get3A_981 = arith.constant 1 : index
    %get3A_982 = vector.load %arg2[%get3A_979, %get3A_980, %get3A_981] : memref<1x2048x4xf32, #tpu.memory_space<vmem>>, vector<1x128x1xf32>
    %get3A_983 = vector.shape_cast %get3A_982 : vector<1x128x1xf32> to vector<128x1xf32>
    %get3A_984 = arith.constant 0 : index
    %get3A_985 = arith.constant 1408 : index
    %get3A_986 = arith.constant 2 : index
    %get3A_987 = vector.load %arg2[%get3A_984, %get3A_985, %get3A_986] : memref<1x2048x4xf32, #tpu.memory_space<vmem>>, vector<1x128x1xf32>
    %get3A_988 = vector.shape_cast %get3A_987 : vector<1x128x1xf32> to vector<128x1xf32>
    %get3A_989 = arith.constant 0 : index
    %get3A_990 = arith.constant 1408 : index
    %get3A_991 = arith.constant 3 : index
    %get3A_992 = vector.load %arg2[%get3A_989, %get3A_990, %get3A_991] : memref<1x2048x4xf32, #tpu.memory_space<vmem>>, vector<1x128x1xf32>
    %get3A_993 = vector.shape_cast %get3A_992 : vector<1x128x1xf32> to vector<128x1xf32>
    %sub3A_994 = arith.subf %get3A_988, %get3A_978 : vector<128x1xf32>
    %add3A_995 = arith.constant 1.000000e+00 : f32
    %add3A_996 = vector.broadcast %add3A_995 : f32 to vector<128x1xf32>
    %add3A_997 = arith.addf %sub3A_994, %add3A_996 : vector<128x1xf32>
    %max3A_998 = arith.constant 0.000000e+00 : f32
    %max3A_999 = vector.broadcast %max3A_998 : f32 to vector<128x1xf32>
    %max3A_1000 = arith.maximumf %add3A_997, %max3A_999 : vector<128x1xf32>
    %sub3A_1001 = arith.subf %get3A_993, %get3A_983 : vector<128x1xf32>
    %add3A_1002 = arith.constant 1.000000e+00 : f32
    %add3A_1003 = vector.broadcast %add3A_1002 : f32 to vector<128x1xf32>
    %add3A_1004 = arith.addf %sub3A_1001, %add3A_1003 : vector<128x1xf32>
    %max3A_1005 = arith.constant 0.000000e+00 : f32
    %max3A_1006 = vector.broadcast %max3A_1005 : f32 to vector<128x1xf32>
    %max3A_1007 = arith.maximumf %add3A_1004, %max3A_1006 : vector<128x1xf32>
    %mul3A_1008 = arith.mulf %max3A_1000, %max3A_1007 : vector<128x1xf32>
    %max3A_1009 = vector.broadcast %get3A_978 : vector<128x1xf32> to vector<128x2048xf32>
    %max3A_1010 = vector.broadcast %get3A_8 : vector<1x2048xf32> to vector<128x2048xf32>
    %max3A_1011 = arith.maximumf %max3A_1009, %max3A_1010 : vector<128x2048xf32>
    %max3A_1012 = vector.broadcast %get3A_983 : vector<128x1xf32> to vector<128x2048xf32>
    %max3A_1013 = vector.broadcast %get3A_13 : vector<1x2048xf32> to vector<128x2048xf32>
    %max3A_1014 = arith.maximumf %max3A_1012, %max3A_1013 : vector<128x2048xf32>
    %min3A_1015 = vector.broadcast %get3A_988 : vector<128x1xf32> to vector<128x2048xf32>
    %min3A_1016 = vector.broadcast %get3A_18 : vector<1x2048xf32> to vector<128x2048xf32>
    %min3A_1017 = arith.minimumf %min3A_1015, %min3A_1016 : vector<128x2048xf32>
    %min3A_1018 = vector.broadcast %get3A_993 : vector<128x1xf32> to vector<128x2048xf32>
    %min3A_1019 = vector.broadcast %get3A_23 : vector<1x2048xf32> to vector<128x2048xf32>
    %min3A_1020 = arith.minimumf %min3A_1018, %min3A_1019 : vector<128x2048xf32>
    %sub3A_1021 = arith.subf %min3A_1017, %max3A_1011 : vector<128x2048xf32>
    %add3A_1022 = arith.constant 1.000000e+00 : f32
    %add3A_1023 = vector.broadcast %add3A_1022 : f32 to vector<128x2048xf32>
    %add3A_1024 = arith.addf %sub3A_1021, %add3A_1023 : vector<128x2048xf32>
    %max3A_1025 = arith.constant 0.000000e+00 : f32
    %max3A_1026 = vector.broadcast %max3A_1025 : f32 to vector<128x2048xf32>
    %max3A_1027 = arith.maximumf %add3A_1024, %max3A_1026 : vector<128x2048xf32>
    %sub3A_1028 = arith.subf %min3A_1020, %max3A_1014 : vector<128x2048xf32>
    %add3A_1029 = arith.constant 1.000000e+00 : f32
    %add3A_1030 = vector.broadcast %add3A_1029 : f32 to vector<128x2048xf32>
    %add3A_1031 = arith.addf %sub3A_1028, %add3A_1030 : vector<128x2048xf32>
    %max3A_1032 = arith.constant 0.000000e+00 : f32
    %max3A_1033 = vector.broadcast %max3A_1032 : f32 to vector<128x2048xf32>
    %max3A_1034 = arith.maximumf %add3A_1031, %max3A_1033 : vector<128x2048xf32>
    %mul3A_1035 = arith.mulf %max3A_1027, %max3A_1034 : vector<128x2048xf32>
    %add3A_1036 = vector.broadcast %mul3A_1008 : vector<128x1xf32> to vector<128x2048xf32>
    %add3A_1037 = vector.broadcast %mul3A : vector<1x2048xf32> to vector<128x2048xf32>
    %add3A_1038 = arith.addf %add3A_1036, %add3A_1037 : vector<128x2048xf32>
    %sub3A_1039 = arith.subf %add3A_1038, %mul3A_1035 : vector<128x2048xf32>
    %add3A_1040 = arith.constant 9.99999971E-10 : f32
    %add3A_1041 = vector.broadcast %add3A_1040 : f32 to vector<128x2048xf32>
    %add3A_1042 = arith.addf %sub3A_1039, %add3A_1041 : vector<128x2048xf32>
    %div3A_1043 = arith.divf %mul3A_1035, %add3A_1042 : vector<128x2048xf32>
    %iota3A_1044 = tpu.iota {dimensions = array<i32: 0>} : vector<128x2048xi32>
    %add3A_1045 = arith.constant 1408 : i32
    %add3A_1046 = vector.broadcast %add3A_1045 : i32 to vector<128x2048xi32>
    %add3A_1047 = arith.addi %iota3A_1044, %add3A_1046 : vector<128x2048xi32>
    %iota3A_1048 = tpu.iota {dimensions = array<i32: 1>} : vector<128x2048xi32>
    %gt3A_1049 = arith.constant 0.699999988 : f32
    %gt3A_1050 = vector.broadcast %gt3A_1049 : f32 to vector<128x2048xf32>
    %gt3A_1051 = arith.cmpf ogt, %div3A_1043, %gt3A_1050 : vector<128x2048xf32>
    %gt3A_1052 = arith.cmpi sgt, %iota3A_1048, %add3A_1047 : vector<128x2048xi32>
    %and3A_1053 = arith.andi %gt3A_1051, %gt3A_1052 : vector<128x2048xi1>
    %convert_element_type3A_1054 = arith.extui %and3A_1053 : vector<128x2048xi1> to vector<128x2048xi32>
    %convert_element_type3A_1055 = arith.sitofp %convert_element_type3A_1054 : vector<128x2048xi32> to vector<128x2048xf32>
    %convert_element_type3A_1056 = arith.truncf %convert_element_type3A_1055 : vector<128x2048xf32> to vector<128x2048xbf16>
    %swap3A_1057 = arith.constant 1408 : index
    %swap3A_1058 = arith.constant 0 : index
    %swap3A_1059 = vector.load %arg5[%swap3A_1057, %swap3A_1058] : memref<2048x2048xbf16, #tpu.memory_space<vmem>>, vector<128x2048xbf16>
    tpu.vector_store %arg5[%swap3A_1057, %swap3A_1058], %convert_element_type3A_1056 {strides = array<i32>} : memref<2048x2048xbf16, #tpu.memory_space<vmem>>, vector<128x2048xbf16>,
    %get3A_1060 = arith.constant 0 : index
    %get3A_1061 = arith.constant 1536 : index
    %get3A_1062 = arith.constant 0 : index
    %get3A_1063 = vector.load %arg2[%get3A_1060, %get3A_1061, %get3A_1062] : memref<1x2048x4xf32, #tpu.memory_space<vmem>>, vector<1x128x1xf32>
    %get3A_1064 = vector.shape_cast %get3A_1063 : vector<1x128x1xf32> to vector<128x1xf32>
    %get3A_1065 = arith.constant 0 : index
    %get3A_1066 = arith.constant 1536 : index
    %get3A_1067 = arith.constant 1 : index
    %get3A_1068 = vector.load %arg2[%get3A_1065, %get3A_1066, %get3A_1067] : memref<1x2048x4xf32, #tpu.memory_space<vmem>>, vector<1x128x1xf32>
    %get3A_1069 = vector.shape_cast %get3A_1068 : vector<1x128x1xf32> to vector<128x1xf32>
    %get3A_1070 = arith.constant 0 : index
    %get3A_1071 = arith.constant 1536 : index
    %get3A_1072 = arith.constant 2 : index
    %get3A_1073 = vector.load %arg2[%get3A_1070, %get3A_1071, %get3A_1072] : memref<1x2048x4xf32, #tpu.memory_space<vmem>>, vector<1x128x1xf32>
    %get3A_1074 = vector.shape_cast %get3A_1073 : vector<1x128x1xf32> to vector<128x1xf32>
    %get3A_1075 = arith.constant 0 : index
    %get3A_1076 = arith.constant 1536 : index
    %get3A_1077 = arith.constant 3 : index
    %get3A_1078 = vector.load %arg2[%get3A_1075, %get3A_1076, %get3A_1077] : memref<1x2048x4xf32, #tpu.memory_space<vmem>>, vector<1x128x1xf32>
    %get3A_1079 = vector.shape_cast %get3A_1078 : vector<1x128x1xf32> to vector<128x1xf32>
    %sub3A_1080 = arith.subf %get3A_1074, %get3A_1064 : vector<128x1xf32>
    %add3A_1081 = arith.constant 1.000000e+00 : f32
    %add3A_1082 = vector.broadcast %add3A_1081 : f32 to vector<128x1xf32>
    %add3A_1083 = arith.addf %sub3A_1080, %add3A_1082 : vector<128x1xf32>
    %max3A_1084 = arith.constant 0.000000e+00 : f32
    %max3A_1085 = vector.broadcast %max3A_1084 : f32 to vector<128x1xf32>
    %max3A_1086 = arith.maximumf %add3A_1083, %max3A_1085 : vector<128x1xf32>
    %sub3A_1087 = arith.subf %get3A_1079, %get3A_1069 : vector<128x1xf32>
    %add3A_1088 = arith.constant 1.000000e+00 : f32
    %add3A_1089 = vector.broadcast %add3A_1088 : f32 to vector<128x1xf32>
    %add3A_1090 = arith.addf %sub3A_1087, %add3A_1089 : vector<128x1xf32>
    %max3A_1091 = arith.constant 0.000000e+00 : f32
    %max3A_1092 = vector.broadcast %max3A_1091 : f32 to vector<128x1xf32>
    %max3A_1093 = arith.maximumf %add3A_1090, %max3A_1092 : vector<128x1xf32>
    %mul3A_1094 = arith.mulf %max3A_1086, %max3A_1093 : vector<128x1xf32>
    %max3A_1095 = vector.broadcast %get3A_1064 : vector<128x1xf32> to vector<128x2048xf32>
    %max3A_1096 = vector.broadcast %get3A_8 : vector<1x2048xf32> to vector<128x2048xf32>
    %max3A_1097 = arith.maximumf %max3A_1095, %max3A_1096 : vector<128x2048xf32>
    %max3A_1098 = vector.broadcast %get3A_1069 : vector<128x1xf32> to vector<128x2048xf32>
    %max3A_1099 = vector.broadcast %get3A_13 : vector<1x2048xf32> to vector<128x2048xf32>
    %max3A_1100 = arith.maximumf %max3A_1098, %max3A_1099 : vector<128x2048xf32>
    %min3A_1101 = vector.broadcast %get3A_1074 : vector<128x1xf32> to vector<128x2048xf32>
    %min3A_1102 = vector.broadcast %get3A_18 : vector<1x2048xf32> to vector<128x2048xf32>
    %min3A_1103 = arith.minimumf %min3A_1101, %min3A_1102 : vector<128x2048xf32>
    %min3A_1104 = vector.broadcast %get3A_1079 : vector<128x1xf32> to vector<128x2048xf32>
    %min3A_1105 = vector.broadcast %get3A_23 : vector<1x2048xf32> to vector<128x2048xf32>
    %min3A_1106 = arith.minimumf %min3A_1104, %min3A_1105 : vector<128x2048xf32>
    %sub3A_1107 = arith.subf %min3A_1103, %max3A_1097 : vector<128x2048xf32>
    %add3A_1108 = arith.constant 1.000000e+00 : f32
    %add3A_1109 = vector.broadcast %add3A_1108 : f32 to vector<128x2048xf32>
    %add3A_1110 = arith.addf %sub3A_1107, %add3A_1109 : vector<128x2048xf32>
    %max3A_1111 = arith.constant 0.000000e+00 : f32
    %max3A_1112 = vector.broadcast %max3A_1111 : f32 to vector<128x2048xf32>
    %max3A_1113 = arith.maximumf %add3A_1110, %max3A_1112 : vector<128x2048xf32>
    %sub3A_1114 = arith.subf %min3A_1106, %max3A_1100 : vector<128x2048xf32>
    %add3A_1115 = arith.constant 1.000000e+00 : f32
    %add3A_1116 = vector.broadcast %add3A_1115 : f32 to vector<128x2048xf32>
    %add3A_1117 = arith.addf %sub3A_1114, %add3A_1116 : vector<128x2048xf32>
    %max3A_1118 = arith.constant 0.000000e+00 : f32
    %max3A_1119 = vector.broadcast %max3A_1118 : f32 to vector<128x2048xf32>
    %max3A_1120 = arith.maximumf %add3A_1117, %max3A_1119 : vector<128x2048xf32>
    %mul3A_1121 = arith.mulf %max3A_1113, %max3A_1120 : vector<128x2048xf32>
    %add3A_1122 = vector.broadcast %mul3A_1094 : vector<128x1xf32> to vector<128x2048xf32>
    %add3A_1123 = vector.broadcast %mul3A : vector<1x2048xf32> to vector<128x2048xf32>
    %add3A_1124 = arith.addf %add3A_1122, %add3A_1123 : vector<128x2048xf32>
    %sub3A_1125 = arith.subf %add3A_1124, %mul3A_1121 : vector<128x2048xf32>
    %add3A_1126 = arith.constant 9.99999971E-10 : f32
    %add3A_1127 = vector.broadcast %add3A_1126 : f32 to vector<128x2048xf32>
    %add3A_1128 = arith.addf %sub3A_1125, %add3A_1127 : vector<128x2048xf32>
    %div3A_1129 = arith.divf %mul3A_1121, %add3A_1128 : vector<128x2048xf32>
    %iota3A_1130 = tpu.iota {dimensions = array<i32: 0>} : vector<128x2048xi32>
    %add3A_1131 = arith.constant 1536 : i32
    %add3A_1132 = vector.broadcast %add3A_1131 : i32 to vector<128x2048xi32>
    %add3A_1133 = arith.addi %iota3A_1130, %add3A_1132 : vector<128x2048xi32>
    %iota3A_1134 = tpu.iota {dimensions = array<i32: 1>} : vector<128x2048xi32>
    %gt3A_1135 = arith.constant 0.699999988 : f32
    %gt3A_1136 = vector.broadcast %gt3A_1135 : f32 to vector<128x2048xf32>
    %gt3A_1137 = arith.cmpf ogt, %div3A_1129, %gt3A_1136 : vector<128x2048xf32>
    %gt3A_1138 = arith.cmpi sgt, %iota3A_1134, %add3A_1133 : vector<128x2048xi32>
    %and3A_1139 = arith.andi %gt3A_1137, %gt3A_1138 : vector<128x2048xi1>
    %convert_element_type3A_1140 = arith.extui %and3A_1139 : vector<128x2048xi1> to vector<128x2048xi32>
    %convert_element_type3A_1141 = arith.sitofp %convert_element_type3A_1140 : vector<128x2048xi32> to vector<128x2048xf32>
    %convert_element_type3A_1142 = arith.truncf %convert_element_type3A_1141 : vector<128x2048xf32> to vector<128x2048xbf16>
    %swap3A_1143 = arith.constant 1536 : index
    %swap3A_1144 = arith.constant 0 : index
    %swap3A_1145 = vector.load %arg5[%swap3A_1143, %swap3A_1144] : memref<2048x2048xbf16, #tpu.memory_space<vmem>>, vector<128x2048xbf16>
    tpu.vector_store %arg5[%swap3A_1143, %swap3A_1144], %convert_element_type3A_1142 {strides = array<i32>} : memref<2048x2048xbf16, #tpu.memory_space<vmem>>, vector<128x2048xbf16>,
    %get3A_1146 = arith.constant 0 : index
    %get3A_1147 = arith.constant 1664 : index
    %get3A_1148 = arith.constant 0 : index
    %get3A_1149 = vector.load %arg2[%get3A_1146, %get3A_1147, %get3A_1148] : memref<1x2048x4xf32, #tpu.memory_space<vmem>>, vector<1x128x1xf32>
    %get3A_1150 = vector.shape_cast %get3A_1149 : vector<1x128x1xf32> to vector<128x1xf32>
    %get3A_1151 = arith.constant 0 : index
    %get3A_1152 = arith.constant 1664 : index
    %get3A_1153 = arith.constant 1 : index
    %get3A_1154 = vector.load %arg2[%get3A_1151, %get3A_1152, %get3A_1153] : memref<1x2048x4xf32, #tpu.memory_space<vmem>>, vector<1x128x1xf32>
    %get3A_1155 = vector.shape_cast %get3A_1154 : vector<1x128x1xf32> to vector<128x1xf32>
    %get3A_1156 = arith.constant 0 : index
    %get3A_1157 = arith.constant 1664 : index
    %get3A_1158 = arith.constant 2 : index
    %get3A_1159 = vector.load %arg2[%get3A_1156, %get3A_1157, %get3A_1158] : memref<1x2048x4xf32, #tpu.memory_space<vmem>>, vector<1x128x1xf32>
    %get3A_1160 = vector.shape_cast %get3A_1159 : vector<1x128x1xf32> to vector<128x1xf32>
    %get3A_1161 = arith.constant 0 : index
    %get3A_1162 = arith.constant 1664 : index
    %get3A_1163 = arith.constant 3 : index
    %get3A_1164 = vector.load %arg2[%get3A_1161, %get3A_1162, %get3A_1163] : memref<1x2048x4xf32, #tpu.memory_space<vmem>>, vector<1x128x1xf32>
    %get3A_1165 = vector.shape_cast %get3A_1164 : vector<1x128x1xf32> to vector<128x1xf32>
    %sub3A_1166 = arith.subf %get3A_1160, %get3A_1150 : vector<128x1xf32>
    %add3A_1167 = arith.constant 1.000000e+00 : f32
    %add3A_1168 = vector.broadcast %add3A_1167 : f32 to vector<128x1xf32>
    %add3A_1169 = arith.addf %sub3A_1166, %add3A_1168 : vector<128x1xf32>
    %max3A_1170 = arith.constant 0.000000e+00 : f32
    %max3A_1171 = vector.broadcast %max3A_1170 : f32 to vector<128x1xf32>
    %max3A_1172 = arith.maximumf %add3A_1169, %max3A_1171 : vector<128x1xf32>
    %sub3A_1173 = arith.subf %get3A_1165, %get3A_1155 : vector<128x1xf32>
    %add3A_1174 = arith.constant 1.000000e+00 : f32
    %add3A_1175 = vector.broadcast %add3A_1174 : f32 to vector<128x1xf32>
    %add3A_1176 = arith.addf %sub3A_1173, %add3A_1175 : vector<128x1xf32>
    %max3A_1177 = arith.constant 0.000000e+00 : f32
    %max3A_1178 = vector.broadcast %max3A_1177 : f32 to vector<128x1xf32>
    %max3A_1179 = arith.maximumf %add3A_1176, %max3A_1178 : vector<128x1xf32>
    %mul3A_1180 = arith.mulf %max3A_1172, %max3A_1179 : vector<128x1xf32>
    %max3A_1181 = vector.broadcast %get3A_1150 : vector<128x1xf32> to vector<128x2048xf32>
    %max3A_1182 = vector.broadcast %get3A_8 : vector<1x2048xf32> to vector<128x2048xf32>
    %max3A_1183 = arith.maximumf %max3A_1181, %max3A_1182 : vector<128x2048xf32>
    %max3A_1184 = vector.broadcast %get3A_1155 : vector<128x1xf32> to vector<128x2048xf32>
    %max3A_1185 = vector.broadcast %get3A_13 : vector<1x2048xf32> to vector<128x2048xf32>
    %max3A_1186 = arith.maximumf %max3A_1184, %max3A_1185 : vector<128x2048xf32>
    %min3A_1187 = vector.broadcast %get3A_1160 : vector<128x1xf32> to vector<128x2048xf32>
    %min3A_1188 = vector.broadcast %get3A_18 : vector<1x2048xf32> to vector<128x2048xf32>
    %min3A_1189 = arith.minimumf %min3A_1187, %min3A_1188 : vector<128x2048xf32>
    %min3A_1190 = vector.broadcast %get3A_1165 : vector<128x1xf32> to vector<128x2048xf32>
    %min3A_1191 = vector.broadcast %get3A_23 : vector<1x2048xf32> to vector<128x2048xf32>
    %min3A_1192 = arith.minimumf %min3A_1190, %min3A_1191 : vector<128x2048xf32>
    %sub3A_1193 = arith.subf %min3A_1189, %max3A_1183 : vector<128x2048xf32>
    %add3A_1194 = arith.constant 1.000000e+00 : f32
    %add3A_1195 = vector.broadcast %add3A_1194 : f32 to vector<128x2048xf32>
    %add3A_1196 = arith.addf %sub3A_1193, %add3A_1195 : vector<128x2048xf32>
    %max3A_1197 = arith.constant 0.000000e+00 : f32
    %max3A_1198 = vector.broadcast %max3A_1197 : f32 to vector<128x2048xf32>
    %max3A_1199 = arith.maximumf %add3A_1196, %max3A_1198 : vector<128x2048xf32>
    %sub3A_1200 = arith.subf %min3A_1192, %max3A_1186 : vector<128x2048xf32>
    %add3A_1201 = arith.constant 1.000000e+00 : f32
    %add3A_1202 = vector.broadcast %add3A_1201 : f32 to vector<128x2048xf32>
    %add3A_1203 = arith.addf %sub3A_1200, %add3A_1202 : vector<128x2048xf32>
    %max3A_1204 = arith.constant 0.000000e+00 : f32
    %max3A_1205 = vector.broadcast %max3A_1204 : f32 to vector<128x2048xf32>
    %max3A_1206 = arith.maximumf %add3A_1203, %max3A_1205 : vector<128x2048xf32>
    %mul3A_1207 = arith.mulf %max3A_1199, %max3A_1206 : vector<128x2048xf32>
    %add3A_1208 = vector.broadcast %mul3A_1180 : vector<128x1xf32> to vector<128x2048xf32>
    %add3A_1209 = vector.broadcast %mul3A : vector<1x2048xf32> to vector<128x2048xf32>
    %add3A_1210 = arith.addf %add3A_1208, %add3A_1209 : vector<128x2048xf32>
    %sub3A_1211 = arith.subf %add3A_1210, %mul3A_1207 : vector<128x2048xf32>
    %add3A_1212 = arith.constant 9.99999971E-10 : f32
    %add3A_1213 = vector.broadcast %add3A_1212 : f32 to vector<128x2048xf32>
    %add3A_1214 = arith.addf %sub3A_1211, %add3A_1213 : vector<128x2048xf32>
    %div3A_1215 = arith.divf %mul3A_1207, %add3A_1214 : vector<128x2048xf32>
    %iota3A_1216 = tpu.iota {dimensions = array<i32: 0>} : vector<128x2048xi32>
    %add3A_1217 = arith.constant 1664 : i32
    %add3A_1218 = vector.broadcast %add3A_1217 : i32 to vector<128x2048xi32>
    %add3A_1219 = arith.addi %iota3A_1216, %add3A_1218 : vector<128x2048xi32>
    %iota3A_1220 = tpu.iota {dimensions = array<i32: 1>} : vector<128x2048xi32>
    %gt3A_1221 = arith.constant 0.699999988 : f32
    %gt3A_1222 = vector.broadcast %gt3A_1221 : f32 to vector<128x2048xf32>
    %gt3A_1223 = arith.cmpf ogt, %div3A_1215, %gt3A_1222 : vector<128x2048xf32>
    %gt3A_1224 = arith.cmpi sgt, %iota3A_1220, %add3A_1219 : vector<128x2048xi32>
    %and3A_1225 = arith.andi %gt3A_1223, %gt3A_1224 : vector<128x2048xi1>
    %convert_element_type3A_1226 = arith.extui %and3A_1225 : vector<128x2048xi1> to vector<128x2048xi32>
    %convert_element_type3A_1227 = arith.sitofp %convert_element_type3A_1226 : vector<128x2048xi32> to vector<128x2048xf32>
    %convert_element_type3A_1228 = arith.truncf %convert_element_type3A_1227 : vector<128x2048xf32> to vector<128x2048xbf16>
    %swap3A_1229 = arith.constant 1664 : index
    %swap3A_1230 = arith.constant 0 : index
    %swap3A_1231 = vector.load %arg5[%swap3A_1229, %swap3A_1230] : memref<2048x2048xbf16, #tpu.memory_space<vmem>>, vector<128x2048xbf16>
    tpu.vector_store %arg5[%swap3A_1229, %swap3A_1230], %convert_element_type3A_1228 {strides = array<i32>} : memref<2048x2048xbf16, #tpu.memory_space<vmem>>, vector<128x2048xbf16>,
    %get3A_1232 = arith.constant 0 : index
    %get3A_1233 = arith.constant 1792 : index
    %get3A_1234 = arith.constant 0 : index
    %get3A_1235 = vector.load %arg2[%get3A_1232, %get3A_1233, %get3A_1234] : memref<1x2048x4xf32, #tpu.memory_space<vmem>>, vector<1x128x1xf32>
    %get3A_1236 = vector.shape_cast %get3A_1235 : vector<1x128x1xf32> to vector<128x1xf32>
    %get3A_1237 = arith.constant 0 : index
    %get3A_1238 = arith.constant 1792 : index
    %get3A_1239 = arith.constant 1 : index
    %get3A_1240 = vector.load %arg2[%get3A_1237, %get3A_1238, %get3A_1239] : memref<1x2048x4xf32, #tpu.memory_space<vmem>>, vector<1x128x1xf32>
    %get3A_1241 = vector.shape_cast %get3A_1240 : vector<1x128x1xf32> to vector<128x1xf32>
    %get3A_1242 = arith.constant 0 : index
    %get3A_1243 = arith.constant 1792 : index
    %get3A_1244 = arith.constant 2 : index
    %get3A_1245 = vector.load %arg2[%get3A_1242, %get3A_1243, %get3A_1244] : memref<1x2048x4xf32, #tpu.memory_space<vmem>>, vector<1x128x1xf32>
    %get3A_1246 = vector.shape_cast %get3A_1245 : vector<1x128x1xf32> to vector<128x1xf32>
    %get3A_1247 = arith.constant 0 : index
    %get3A_1248 = arith.constant 1792 : index
    %get3A_1249 = arith.constant 3 : index
    %get3A_1250 = vector.load %arg2[%get3A_1247, %get3A_1248, %get3A_1249] : memref<1x2048x4xf32, #tpu.memory_space<vmem>>, vector<1x128x1xf32>
    %get3A_1251 = vector.shape_cast %get3A_1250 : vector<1x128x1xf32> to vector<128x1xf32>
    %sub3A_1252 = arith.subf %get3A_1246, %get3A_1236 : vector<128x1xf32>
    %add3A_1253 = arith.constant 1.000000e+00 : f32
    %add3A_1254 = vector.broadcast %add3A_1253 : f32 to vector<128x1xf32>
    %add3A_1255 = arith.addf %sub3A_1252, %add3A_1254 : vector<128x1xf32>
    %max3A_1256 = arith.constant 0.000000e+00 : f32
    %max3A_1257 = vector.broadcast %max3A_1256 : f32 to vector<128x1xf32>
    %max3A_1258 = arith.maximumf %add3A_1255, %max3A_1257 : vector<128x1xf32>
    %sub3A_1259 = arith.subf %get3A_1251, %get3A_1241 : vector<128x1xf32>
    %add3A_1260 = arith.constant 1.000000e+00 : f32
    %add3A_1261 = vector.broadcast %add3A_1260 : f32 to vector<128x1xf32>
    %add3A_1262 = arith.addf %sub3A_1259, %add3A_1261 : vector<128x1xf32>
    %max3A_1263 = arith.constant 0.000000e+00 : f32
    %max3A_1264 = vector.broadcast %max3A_1263 : f32 to vector<128x1xf32>
    %max3A_1265 = arith.maximumf %add3A_1262, %max3A_1264 : vector<128x1xf32>
    %mul3A_1266 = arith.mulf %max3A_1258, %max3A_1265 : vector<128x1xf32>
    %max3A_1267 = vector.broadcast %get3A_1236 : vector<128x1xf32> to vector<128x2048xf32>
    %max3A_1268 = vector.broadcast %get3A_8 : vector<1x2048xf32> to vector<128x2048xf32>
    %max3A_1269 = arith.maximumf %max3A_1267, %max3A_1268 : vector<128x2048xf32>
    %max3A_1270 = vector.broadcast %get3A_1241 : vector<128x1xf32> to vector<128x2048xf32>
    %max3A_1271 = vector.broadcast %get3A_13 : vector<1x2048xf32> to vector<128x2048xf32>
    %max3A_1272 = arith.maximumf %max3A_1270, %max3A_1271 : vector<128x2048xf32>
    %min3A_1273 = vector.broadcast %get3A_1246 : vector<128x1xf32> to vector<128x2048xf32>
    %min3A_1274 = vector.broadcast %get3A_18 : vector<1x2048xf32> to vector<128x2048xf32>
    %min3A_1275 = arith.minimumf %min3A_1273, %min3A_1274 : vector<128x2048xf32>
    %min3A_1276 = vector.broadcast %get3A_1251 : vector<128x1xf32> to vector<128x2048xf32>
    %min3A_1277 = vector.broadcast %get3A_23 : vector<1x2048xf32> to vector<128x2048xf32>
    %min3A_1278 = arith.minimumf %min3A_1276, %min3A_1277 : vector<128x2048xf32>
    %sub3A_1279 = arith.subf %min3A_1275, %max3A_1269 : vector<128x2048xf32>
    %add3A_1280 = arith.constant 1.000000e+00 : f32
    %add3A_1281 = vector.broadcast %add3A_1280 : f32 to vector<128x2048xf32>
    %add3A_1282 = arith.addf %sub3A_1279, %add3A_1281 : vector<128x2048xf32>
    %max3A_1283 = arith.constant 0.000000e+00 : f32
    %max3A_1284 = vector.broadcast %max3A_1283 : f32 to vector<128x2048xf32>
    %max3A_1285 = arith.maximumf %add3A_1282, %max3A_1284 : vector<128x2048xf32>
    %sub3A_1286 = arith.subf %min3A_1278, %max3A_1272 : vector<128x2048xf32>
    %add3A_1287 = arith.constant 1.000000e+00 : f32
    %add3A_1288 = vector.broadcast %add3A_1287 : f32 to vector<128x2048xf32>
    %add3A_1289 = arith.addf %sub3A_1286, %add3A_1288 : vector<128x2048xf32>
    %max3A_1290 = arith.constant 0.000000e+00 : f32
    %max3A_1291 = vector.broadcast %max3A_1290 : f32 to vector<128x2048xf32>
    %max3A_1292 = arith.maximumf %add3A_1289, %max3A_1291 : vector<128x2048xf32>
    %mul3A_1293 = arith.mulf %max3A_1285, %max3A_1292 : vector<128x2048xf32>
    %add3A_1294 = vector.broadcast %mul3A_1266 : vector<128x1xf32> to vector<128x2048xf32>
    %add3A_1295 = vector.broadcast %mul3A : vector<1x2048xf32> to vector<128x2048xf32>
    %add3A_1296 = arith.addf %add3A_1294, %add3A_1295 : vector<128x2048xf32>
    %sub3A_1297 = arith.subf %add3A_1296, %mul3A_1293 : vector<128x2048xf32>
    %add3A_1298 = arith.constant 9.99999971E-10 : f32
    %add3A_1299 = vector.broadcast %add3A_1298 : f32 to vector<128x2048xf32>
    %add3A_1300 = arith.addf %sub3A_1297, %add3A_1299 : vector<128x2048xf32>
    %div3A_1301 = arith.divf %mul3A_1293, %add3A_1300 : vector<128x2048xf32>
    %iota3A_1302 = tpu.iota {dimensions = array<i32: 0>} : vector<128x2048xi32>
    %add3A_1303 = arith.constant 1792 : i32
    %add3A_1304 = vector.broadcast %add3A_1303 : i32 to vector<128x2048xi32>
    %add3A_1305 = arith.addi %iota3A_1302, %add3A_1304 : vector<128x2048xi32>
    %iota3A_1306 = tpu.iota {dimensions = array<i32: 1>} : vector<128x2048xi32>
    %gt3A_1307 = arith.constant 0.699999988 : f32
    %gt3A_1308 = vector.broadcast %gt3A_1307 : f32 to vector<128x2048xf32>
    %gt3A_1309 = arith.cmpf ogt, %div3A_1301, %gt3A_1308 : vector<128x2048xf32>
    %gt3A_1310 = arith.cmpi sgt, %iota3A_1306, %add3A_1305 : vector<128x2048xi32>
    %and3A_1311 = arith.andi %gt3A_1309, %gt3A_1310 : vector<128x2048xi1>
    %convert_element_type3A_1312 = arith.extui %and3A_1311 : vector<128x2048xi1> to vector<128x2048xi32>
    %convert_element_type3A_1313 = arith.sitofp %convert_element_type3A_1312 : vector<128x2048xi32> to vector<128x2048xf32>
    %convert_element_type3A_1314 = arith.truncf %convert_element_type3A_1313 : vector<128x2048xf32> to vector<128x2048xbf16>
    %swap3A_1315 = arith.constant 1792 : index
    %swap3A_1316 = arith.constant 0 : index
    %swap3A_1317 = vector.load %arg5[%swap3A_1315, %swap3A_1316] : memref<2048x2048xbf16, #tpu.memory_space<vmem>>, vector<128x2048xbf16>
    tpu.vector_store %arg5[%swap3A_1315, %swap3A_1316], %convert_element_type3A_1314 {strides = array<i32>} : memref<2048x2048xbf16, #tpu.memory_space<vmem>>, vector<128x2048xbf16>,
    %get3A_1318 = arith.constant 0 : index
    %get3A_1319 = arith.constant 1920 : index
    %get3A_1320 = arith.constant 0 : index
    %get3A_1321 = vector.load %arg2[%get3A_1318, %get3A_1319, %get3A_1320] : memref<1x2048x4xf32, #tpu.memory_space<vmem>>, vector<1x128x1xf32>
    %get3A_1322 = vector.shape_cast %get3A_1321 : vector<1x128x1xf32> to vector<128x1xf32>
    %get3A_1323 = arith.constant 0 : index
    %get3A_1324 = arith.constant 1920 : index
    %get3A_1325 = arith.constant 1 : index
    %get3A_1326 = vector.load %arg2[%get3A_1323, %get3A_1324, %get3A_1325] : memref<1x2048x4xf32, #tpu.memory_space<vmem>>, vector<1x128x1xf32>
    %get3A_1327 = vector.shape_cast %get3A_1326 : vector<1x128x1xf32> to vector<128x1xf32>
    %get3A_1328 = arith.constant 0 : index
    %get3A_1329 = arith.constant 1920 : index
    %get3A_1330 = arith.constant 2 : index
    %get3A_1331 = vector.load %arg2[%get3A_1328, %get3A_1329, %get3A_1330] : memref<1x2048x4xf32, #tpu.memory_space<vmem>>, vector<1x128x1xf32>
    %get3A_1332 = vector.shape_cast %get3A_1331 : vector<1x128x1xf32> to vector<128x1xf32>
    %get3A_1333 = arith.constant 0 : index
    %get3A_1334 = arith.constant 1920 : index
    %get3A_1335 = arith.constant 3 : index
    %get3A_1336 = vector.load %arg2[%get3A_1333, %get3A_1334, %get3A_1335] : memref<1x2048x4xf32, #tpu.memory_space<vmem>>, vector<1x128x1xf32>
    %get3A_1337 = vector.shape_cast %get3A_1336 : vector<1x128x1xf32> to vector<128x1xf32>
    %sub3A_1338 = arith.subf %get3A_1332, %get3A_1322 : vector<128x1xf32>
    %add3A_1339 = arith.constant 1.000000e+00 : f32
    %add3A_1340 = vector.broadcast %add3A_1339 : f32 to vector<128x1xf32>
    %add3A_1341 = arith.addf %sub3A_1338, %add3A_1340 : vector<128x1xf32>
    %max3A_1342 = arith.constant 0.000000e+00 : f32
    %max3A_1343 = vector.broadcast %max3A_1342 : f32 to vector<128x1xf32>
    %max3A_1344 = arith.maximumf %add3A_1341, %max3A_1343 : vector<128x1xf32>
    %sub3A_1345 = arith.subf %get3A_1337, %get3A_1327 : vector<128x1xf32>
    %add3A_1346 = arith.constant 1.000000e+00 : f32
    %add3A_1347 = vector.broadcast %add3A_1346 : f32 to vector<128x1xf32>
    %add3A_1348 = arith.addf %sub3A_1345, %add3A_1347 : vector<128x1xf32>
    %max3A_1349 = arith.constant 0.000000e+00 : f32
    %max3A_1350 = vector.broadcast %max3A_1349 : f32 to vector<128x1xf32>
    %max3A_1351 = arith.maximumf %add3A_1348, %max3A_1350 : vector<128x1xf32>
    %mul3A_1352 = arith.mulf %max3A_1344, %max3A_1351 : vector<128x1xf32>
    %max3A_1353 = vector.broadcast %get3A_1322 : vector<128x1xf32> to vector<128x2048xf32>
    %max3A_1354 = vector.broadcast %get3A_8 : vector<1x2048xf32> to vector<128x2048xf32>
    %max3A_1355 = arith.maximumf %max3A_1353, %max3A_1354 : vector<128x2048xf32>
    %max3A_1356 = vector.broadcast %get3A_1327 : vector<128x1xf32> to vector<128x2048xf32>
    %max3A_1357 = vector.broadcast %get3A_13 : vector<1x2048xf32> to vector<128x2048xf32>
    %max3A_1358 = arith.maximumf %max3A_1356, %max3A_1357 : vector<128x2048xf32>
    %min3A_1359 = vector.broadcast %get3A_1332 : vector<128x1xf32> to vector<128x2048xf32>
    %min3A_1360 = vector.broadcast %get3A_18 : vector<1x2048xf32> to vector<128x2048xf32>
    %min3A_1361 = arith.minimumf %min3A_1359, %min3A_1360 : vector<128x2048xf32>
    %min3A_1362 = vector.broadcast %get3A_1337 : vector<128x1xf32> to vector<128x2048xf32>
    %min3A_1363 = vector.broadcast %get3A_23 : vector<1x2048xf32> to vector<128x2048xf32>
    %min3A_1364 = arith.minimumf %min3A_1362, %min3A_1363 : vector<128x2048xf32>
    %sub3A_1365 = arith.subf %min3A_1361, %max3A_1355 : vector<128x2048xf32>
    %add3A_1366 = arith.constant 1.000000e+00 : f32
    %add3A_1367 = vector.broadcast %add3A_1366 : f32 to vector<128x2048xf32>
    %add3A_1368 = arith.addf %sub3A_1365, %add3A_1367 : vector<128x2048xf32>
    %max3A_1369 = arith.constant 0.000000e+00 : f32
    %max3A_1370 = vector.broadcast %max3A_1369 : f32 to vector<128x2048xf32>
    %max3A_1371 = arith.maximumf %add3A_1368, %max3A_1370 : vector<128x2048xf32>
    %sub3A_1372 = arith.subf %min3A_1364, %max3A_1358 : vector<128x2048xf32>
    %add3A_1373 = arith.constant 1.000000e+00 : f32
    %add3A_1374 = vector.broadcast %add3A_1373 : f32 to vector<128x2048xf32>
    %add3A_1375 = arith.addf %sub3A_1372, %add3A_1374 : vector<128x2048xf32>
    %max3A_1376 = arith.constant 0.000000e+00 : f32
    %max3A_1377 = vector.broadcast %max3A_1376 : f32 to vector<128x2048xf32>
    %max3A_1378 = arith.maximumf %add3A_1375, %max3A_1377 : vector<128x2048xf32>
    %mul3A_1379 = arith.mulf %max3A_1371, %max3A_1378 : vector<128x2048xf32>
    %add3A_1380 = vector.broadcast %mul3A_1352 : vector<128x1xf32> to vector<128x2048xf32>
    %add3A_1381 = vector.broadcast %mul3A : vector<1x2048xf32> to vector<128x2048xf32>
    %add3A_1382 = arith.addf %add3A_1380, %add3A_1381 : vector<128x2048xf32>
    %sub3A_1383 = arith.subf %add3A_1382, %mul3A_1379 : vector<128x2048xf32>
    %add3A_1384 = arith.constant 9.99999971E-10 : f32
    %add3A_1385 = vector.broadcast %add3A_1384 : f32 to vector<128x2048xf32>
    %add3A_1386 = arith.addf %sub3A_1383, %add3A_1385 : vector<128x2048xf32>
    %div3A_1387 = arith.divf %mul3A_1379, %add3A_1386 : vector<128x2048xf32>
    %iota3A_1388 = tpu.iota {dimensions = array<i32: 0>} : vector<128x2048xi32>
    %add3A_1389 = arith.constant 1920 : i32
    %add3A_1390 = vector.broadcast %add3A_1389 : i32 to vector<128x2048xi32>
    %add3A_1391 = arith.addi %iota3A_1388, %add3A_1390 : vector<128x2048xi32>
    %iota3A_1392 = tpu.iota {dimensions = array<i32: 1>} : vector<128x2048xi32>
    %gt3A_1393 = arith.constant 0.699999988 : f32
    %gt3A_1394 = vector.broadcast %gt3A_1393 : f32 to vector<128x2048xf32>
    %gt3A_1395 = arith.cmpf ogt, %div3A_1387, %gt3A_1394 : vector<128x2048xf32>
    %gt3A_1396 = arith.cmpi sgt, %iota3A_1392, %add3A_1391 : vector<128x2048xi32>
    %and3A_1397 = arith.andi %gt3A_1395, %gt3A_1396 : vector<128x2048xi1>
    %convert_element_type3A_1398 = arith.extui %and3A_1397 : vector<128x2048xi1> to vector<128x2048xi32>
    %convert_element_type3A_1399 = arith.sitofp %convert_element_type3A_1398 : vector<128x2048xi32> to vector<128x2048xf32>
    %convert_element_type3A_1400 = arith.truncf %convert_element_type3A_1399 : vector<128x2048xf32> to vector<128x2048xbf16>
    %swap3A_1401 = arith.constant 1920 : index
    %swap3A_1402 = arith.constant 0 : index
    %swap3A_1403 = vector.load %arg5[%swap3A_1401, %swap3A_1402] : memref<2048x2048xbf16, #tpu.memory_space<vmem>>, vector<128x2048xbf16>
    tpu.vector_store %arg5[%swap3A_1401, %swap3A_1402], %convert_element_type3A_1400 {strides = array<i32>} : memref<2048x2048xbf16, #tpu.memory_space<vmem>>, vector<128x2048xbf16>,
    %gt3A_1404 = arith.constant 0xFF800000 : f32
    %gt3A_1405 = vector.broadcast %gt3A_1404 : f32 to vector<1x2048xf32>
    %gt3A_1406 = arith.cmpf ogt, %get3A_3, %gt3A_1405 : vector<1x2048xf32>
    %convert_element_type3A_1407 = arith.extui %gt3A_1406 : vector<1x2048xi1> to vector<1x2048xi32>
    %convert_element_type3A_1408 = arith.sitofp %convert_element_type3A_1407 : vector<1x2048xi32> to vector<1x2048xf32>
    %broadcast_in_dim3A = arith.constant 0.000000e+00 : f32
    %broadcast_in_dim3A_1409 = vector.broadcast %broadcast_in_dim3A : f32 to vector<1x2048xf32>
    %while3A:2 = scf.while (%while3A_1420 = %convert_element_type3A_1408, %while3A_1421 = %broadcast_in_dim3A_1409) : (vector<1x2048xf32>, vector<1x2048xf32>) -> (vector<1x2048xf32>, vector<1x2048xf32>) {
      %reduce_sum3A = vector.shape_cast %while3A_1420 : vector<1x2048xf32> to vector<1x1x2048xf32>
      %reduce_sum3A_1422 = arith.constant dense<0.000000e+00> : vector<1xf32>
      %reduce_sum3A_1423 = vector.multi_reduction <add>, %reduce_sum3A, %reduce_sum3A_1422 [1, 2] : vector<1x1x2048xf32> to vector<1xf32>
      %reduce_sum3A_1424 = vector.shape_cast %reduce_sum3A_1423 : vector<1xf32> to vector<1x1x1xf32>
      %reduce_sum3A_1425 = vector.extract %reduce_sum3A_1424[0, 0, 0] : f32 from vector<1x1x1xf32>
      %gt3A_1426 = arith.constant 0.000000e+00 : f32
      %gt3A_1427 = arith.cmpf ogt, %reduce_sum3A_1425, %gt3A_1426 : f32
      scf.condition(%gt3A_1427) %while3A_1420, %while3A_1421 : vector<1x2048xf32>, vector<1x2048xf32>
    } do {
    ^bb0(%while3A_1420: vector<1x2048xf32>, %while3A_1421: vector<1x2048xf32>):
      %add3A_1422 = arith.addf %while3A_1420, %while3A_1421 : vector<1x2048xf32>
      %convert_element_type3A_1423 = arith.truncf %add3A_1422 : vector<1x2048xf32> to vector<1x2048xbf16>
      %get3A_1424 = arith.constant 0 : index
      %get3A_1425 = arith.constant 0 : index
      %get3A_1426 = vector.load %arg5[%get3A_1424, %get3A_1425] : memref<2048x2048xbf16, #tpu.memory_space<vmem>>, vector<2048x2048xbf16>
      %dot_general3A = arith.constant dense<0.000000e+00> : vector<1x2048xf32>
      %dot_general3A_1427 = tpu.matmul %convert_element_type3A_1423, %get3A_1426, %dot_general3A {dimension_numbers = #tpu.dot_dimension_numbers<[1], [0], [0], [1], [0, 0, 1, 1], [], []>, transpose_lhs_hint = false} : vector<1x2048xbf16>, vector<2048x2048xbf16>, vector<1x2048xf32> -> vector<1x2048xf32>
      %eq3A = arith.constant 0.000000e+00 : f32
      %eq3A_1428 = vector.broadcast %eq3A : f32 to vector<1x2048xf32>
      %eq3A_1429 = arith.cmpf oeq, %dot_general3A_1427, %eq3A_1428 : vector<1x2048xf32>
      %convert_element_type3A_1430 = arith.extui %eq3A_1429 : vector<1x2048xi1> to vector<1x2048xi32>
      %convert_element_type3A_1431 = arith.sitofp %convert_element_type3A_1430 : vector<1x2048xi32> to vector<1x2048xf32>
      %mul3A_1432 = arith.mulf %while3A_1420, %convert_element_type3A_1431 : vector<1x2048xf32>
      %add3A_1433 = arith.addf %while3A_1421, %mul3A_1432 : vector<1x2048xf32>
      %convert_element_type3A_1434 = arith.truncf %add3A_1433 : vector<1x2048xf32> to vector<1x2048xbf16>
      %get3A_1435 = arith.constant 0 : index
      %get3A_1436 = arith.constant 0 : index
      %get3A_1437 = vector.load %arg5[%get3A_1435, %get3A_1436] : memref<2048x2048xbf16, #tpu.memory_space<vmem>>, vector<2048x2048xbf16>
      %dot_general3A_1438 = arith.constant dense<0.000000e+00> : vector<1x2048xf32>
      %dot_general3A_1439 = tpu.matmul %convert_element_type3A_1434, %get3A_1437, %dot_general3A_1438 {dimension_numbers = #tpu.dot_dimension_numbers<[1], [0], [0], [1], [0, 0, 1, 1], [], []>, transpose_lhs_hint = false} : vector<1x2048xbf16>, vector<2048x2048xbf16>, vector<1x2048xf32> -> vector<1x2048xf32>
      %gt3A_1440 = arith.constant 0.000000e+00 : f32
      %gt3A_1441 = vector.broadcast %gt3A_1440 : f32 to vector<1x2048xf32>
      %gt3A_1442 = arith.cmpf ogt, %dot_general3A_1439, %gt3A_1441 : vector<1x2048xf32>
      %sub3A_1443 = arith.constant 1.000000e+00 : f32
      %sub3A_1444 = vector.broadcast %sub3A_1443 : f32 to vector<1x2048xf32>
      %sub3A_1445 = arith.subf %sub3A_1444, %mul3A_1432 : vector<1x2048xf32>
      %mul3A_1446 = arith.mulf %while3A_1420, %sub3A_1445 : vector<1x2048xf32>
      %jit3A_1447 = arith.constant 0.000000e+00 : f32
      %broadcast_in_dim3A_1448 = vector.broadcast %jit3A_1447 : f32 to vector<1x2048xf32>
      %select_n3A_1449 = arith.select %gt3A_1442, %broadcast_in_dim3A_1448, %mul3A_1446 : vector<1x2048xi1>, vector<1x2048xf32>
      scf.yield %select_n3A_1449, %add3A_1433 : vector<1x2048xf32>, vector<1x2048xf32>
    }
    %gt3A_1410 = arith.constant 0.000000e+00 : f32
    %gt3A_1411 = vector.broadcast %gt3A_1410 : f32 to vector<1x2048xf32>
    %gt3A_1412 = arith.cmpf ogt, %while3A#1, %gt3A_1411 : vector<1x2048xf32>
    %jit3A = arith.constant 0xFF800000 : f32
    %broadcast_in_dim3A_1413 = vector.broadcast %jit3A : f32 to vector<1x2048xf32>
    %select_n3A = arith.select %gt3A_1412, %get3A_3, %broadcast_in_dim3A_1413 : vector<1x2048xi1>, vector<1x2048xf32>
    %swap3A_1414 = arith.constant 0 : index
    %swap3A_1415 = arith.constant 0 : index
    %swap3A_1416 = arith.constant 0 : index
    %swap3A_1417 = vector.load %arg4[%swap3A_1414, %swap3A_1415, %swap3A_1416] : memref<1x1x2048xf32, #tpu.memory_space<vmem>>, vector<1x1x2048xf32>
    %swap3A_1418 = vector.shape_cast %swap3A_1417 : vector<1x1x2048xf32> to vector<1x2048xf32>
    %swap3A_1419 = vector.shape_cast %select_n3A : vector<1x2048xf32> to vector<1x1x2048xf32>
    tpu.vector_store %arg4[%swap3A_1414, %swap3A_1415, %swap3A_1416], %swap3A_1419 {strides = array<i32>} : memref<1x1x2048xf32, #tpu.memory_space<vmem>>, vector<1x1x2048xf32>,
    return
  }
  func.func @transform_0(%arg0: i32) -> (i32, i32, i32) {
    %c0_i32 = arith.constant 0 : i32
    %c0_i32_0 = arith.constant 0 : i32
    %c0_i32_1 = arith.constant 0 : i32
    return %arg0, %c0_i32, %c0_i32_0 : i32, i32, i32
  }
  func.func @transform_1(%arg0: i32) -> (i32, i32, i32) {
    %c0_i32 = arith.constant 0 : i32
    %c0_i32_0 = arith.constant 0 : i32
    %c0_i32_1 = arith.constant 0 : i32
    return %arg0, %c0_i32, %c0_i32_0 : i32, i32, i32
  }
  func.func @transform_2(%arg0: i32) -> (i32, i32, i32) {
    %c0_i32 = arith.constant 0 : i32
    %c0_i32_0 = arith.constant 0 : i32
    %c0_i32_1 = arith.constant 0 : i32
    return %arg0, %c0_i32, %c0_i32_0 : i32, i32, i32
  }
  func.func @transform_3(%arg0: i32) -> (i32, i32, i32) {
    %c0_i32 = arith.constant 0 : i32
    %c0_i32_0 = arith.constant 0 : i32
    %c0_i32_1 = arith.constant 0 : i32
    return %arg0, %c0_i32, %c0_i32_0 : i32, i32, i32
  }
}

</mosaic_0001>

<sc_bundles>
// kernel: gather_offload_async_start.1
scs
__scs_entry_jumppad:
0x0: {  	(pc) =	sbr.rel $0x88, $3  }
0x1: {  	(tag) =	ssettag $0x0;
	lr =	simm.s32 $0x1  }
0x2: {  	[smem:$0x3F9E] =	sst lr;
	_ =	strace $0xD0000000  }
0x3: {  	_ = 	snop  }
0x4: {  	_ = 	snop  }
0x5: {  	_ = 	snop  }
0x6: {  	_ = 	snop  }
0x7: {  	_ = 	snop  }
__scs_overlays_trampoline_lowered:
0x8: {  	[smem:$0x3FAD] =	sst s0  }
0x9: {  	[smem:$0x3FAE] =	sst s1  }
0xa: {  	[smem:$0x3FAF] =	sst s2  }
0xb: {  	[smem:$0x3FB0] =	sst s3  }
0xc: {  	[smem:$0x3FB1] =	sst s4  }
0xd: {  	[smem:$0x3FB2] =	sst s5  }
0xe: {  	[smem:$0x3FB3] =	sst s6  }
0xf: {  	[smem:$0x3FB4] =	sst s7  }
0x10: {  	[smem:$0x3FB5] =	sst s8  }
0x11: {  	[smem:$0x3FB6] =	sst s9;
	s0 =	simm.s32 @!p0 $0x0  }
0x12: {  	s1 =	sld [smem:$0x3F9C];
	s0 =	simm.s32 @p0 $0x1  }
0x13: {  	[smem:$0x3FB7] =	sst s0;
	s0 =	simm.s32 @!p1 $0x0  }
0x14: {  	s2 =	sld [smem:$0x3F9B];
	s0 =	simm.s32 @p1 $0x1  }
0x15: {  	[smem:$0x3FB8] =	sst s0;
	s0 =	simm.s32 @!p2 $0x0  }
0x16: {  	s3 =	sld [smem:$0x3FDB];
	s0 =	simm.s32 @p2 $0x1  }
0x17: {  	s4 =	simm.s32 $0x1BF5;
	[smem:$0x3FBA] =	sst s0  }
0x18: {  	s0 =	sld [smem:$0x3F9D];
	_ =	swait.ge [sflag:s4], $0x0  }
0x19: {  	s7 =	sld [smem:$0x3F9E]  }
0x1a: {  	s8 =	sadd.s32 $0xFFFFE003, lr  }
0x1b: {  	s9 =	sadd.s32 $0xFFFFFEF7, lr;
	s5 =	simm.s32 $0xFFFFFFFF;
	p2 =	slt.u32 s8, $0xFFFFF086  }
0x1c: {  	p1 =	slt.u32 s9, $0xF7A;
	s5 =	simm.s32 @!p2 $0x0  }
0x1d: {  	s5 =	simm.s32 @p1 $0x1;
	p0 =	seq.s32 s7, s2  }
0x1e: {  	s7 =	smul.u32 @!p0 $0xF7A, s2;
	p2 =	seq.s32 @!p0 s5, $0x0  }
0x1f: {  	s9 =	smul.u32 $0xF7A, s1;
	s8 =	simm.s32 @!p0 $0x1BF5;
	p2 =	por !p2, p0  }
0x20: {  	[sflag:s8] =	ssyncset.s32 @!p0 $0xFFFFF086;
	s6 =	sadd.s32 @!p0 s3, s7;
	s7 =	simm.s32 @!p0 $0x108  }
0x21: {  	s3 =	sadd.s32 s3, s9;
	s6 =	sadd.s32 @!p0 $0x88, s6;
	s7 =	simm.s32 @p2 $0x1082  }
0x22: {  	[simem:s7], [sflag:s8] =	dma.local @!p0 [hbm:s6], $0xF7A  }
0x23: {  	s9 =	sor.u32 $0xD0000000, s2;
	s6 =	simm.s32 $0x108;
	_ =	swait.ge @!p0 [sflag:s8], $0x0  }
0x24: {  	s3 =	sadd.s32 $0x88, s3;
	s6 =	simm.s32 @!p1 $0x1082;
	[sflag:s4] =	ssyncset.s32 $0xFFFFF086  }
0x25: {  	[simem:s6], [sflag:s4] =	dma.local [hbm:s3], $0xF7A  }
0x26: {  	[smem:$0x3F9E] =	sst s1;
	(tag) =	ssettag s2;
	_ =	strace s9  }
0x27: {  	s1 =	sld [smem:$0x3FAE]  }
0x28: {  	s2 =	sld [smem:$0x3FAF]  }
0x29: {  	s4 =	sld [smem:$0x3FB1]  }
0x2a: {  	p0 =	seq.s32 s5, $0x0;
	s5 =	sld [smem:$0x3FB2]  }
0x2b: {  	s6 =	sld [smem:$0x3FB3]  }
0x2c: {  	s7 =	sld [smem:$0x3FB4]  }
0x2d: {  	s3 =	simm.s32 $0x108;
	s8 =	sld [smem:$0x3FB5]  }
0x2e: {  	s3 =	simm.s32 @!p0 $0x1082;
	s9 =	sld [smem:$0x3FB6]  }
0x2f: {  	lr =	sadd.s32 s0, s3;
	s0 =	sld [smem:$0x3FAD]  }
0x30: {  	s3 =	sld [smem:$0x3FB0]  }
0x31: {  	[smem:$0x3FB9] =	sst s10  }
0x32: {  	s10 =	sld [smem:$0x3FB7];
	_ =	sdelay $0x3  }
0x33: {  	p0 =	seq.s32 s10, $0x1;
	s10 =	sld [smem:$0x3FB9];
	_ =	sdelay $0x3  }
0x34: {  	[smem:$0x3FB9] =	sst s10  }
0x35: {  	s10 =	sld [smem:$0x3FB8];
	_ =	sdelay $0x3  }
0x36: {  	p1 =	seq.s32 s10, $0x1;
	s10 =	sld [smem:$0x3FB9];
	_ =	sdelay $0x3  }
0x37: {  	[smem:$0x3FB9] =	sst s10  }
0x38: {  	s10 =	sld [smem:$0x3FBA]  }
0x39: {  	_ = 	snop;
	(pc) =	sbr.ind lr, $3  }
0x3a: {  	_ = 	snop  }
0x3b: {  	_ = 	snop  }
0x3c: {  	p2 =	seq.s32 s10, $0x1;
	s10 =	sld [smem:$0x3FB9]  }
0x3d: {  	_ =	shalt  }
0x3e: {  	_ =	shalt  }
0x3f: {  	_ =	shalt  }
0x40: {  	_ =	shalt  }
0x41: {  	_ =	shalt  }
0x42: {  	_ =	shalt  }
0x43: {  	_ =	shalt  }
0x44: {  	_ =	shalt  }
0x45: {  	_ =	shalt  }
0x46: {  	_ =	shalt  }
0x47: {  	_ =	shalt  }
0x48: {  	_ =	shalt  }
0x49: {  	_ =	shalt  }
0x4a: {  	_ =	shalt  }
0x4b: {  	_ =	shalt  }
0x4c: {  	_ =	shalt  }
0x4d: {  	_ =	shalt  }
0x4e: {  	_ =	shalt  }
0x4f: {  	_ =	shalt  }
0x50: {  	_ =	shalt  }
0x51: {  	_ =	shalt  }
0x52: {  	_ =	shalt  }
0x53: {  	_ =	shalt  }
0x54: {  	_ =	shalt  }
0x55: {  	_ =	shalt  }
0x56: {  	_ =	shalt  }
0x57: {  	_ =	shalt  }
0x58: {  	_ =	shalt  }
0x59: {  	_ =	shalt  }
0x5a: {  	_ =	shalt  }
0x5b: {  	_ =	shalt  }
0x5c: {  	_ =	shalt  }
0x5d: {  	_ =	shalt  }
0x5e: {  	_ =	shalt  }
0x5f: {  	_ =	shalt  }
0x60: {  	_ =	shalt  }
0x61: {  	_ =	shalt  }
0x62: {  	_ =	shalt  }
0x63: {  	_ =	shalt  }
0x64: {  	_ =	shalt  }
0x65: {  	_ =	shalt  }
0x66: {  	_ =	shalt  }
0x67: {  	_ =	shalt  }
0x68: {  	_ =	shalt  }
0x69: {  	_ =	shalt  }
0x6a: {  	_ =	shalt  }
0x6b: {  	_ =	shalt  }
0x6c: {  	_ =	shalt  }
0x6d: {  	_ =	shalt  }
0x6e: {  	_ =	shalt  }
0x6f: {  	_ =	shalt  }
0x70: {  	_ =	shalt  }
0x71: {  	_ =	shalt  }
0x72: {  	_ =	shalt  }
0x73: {  	_ =	shalt  }
0x74: {  	_ =	shalt  }
0x75: {  	_ =	shalt  }
0x76: {  	_ =	shalt  }
0x77: {  	_ =	shalt  }
0x78: {  	_ =	shalt  }
0x79: {  	_ =	shalt  }
0x7a: {  	_ =	shalt  }
0x7b: {  	_ =	shalt  }
0x7c: {  	_ =	shalt  }
0x7d: {  	_ =	shalt  }
0x7e: {  	_ =	shalt  }
0x7f: {  	_ =	shalt  }
0x80: {  	_ =	shalt  }
0x81: {  	_ =	shalt  }
0x82: {  	_ =	shalt  }
0x83: {  	_ =	shalt  }
0x84: {  	_ =	shalt  }
0x85: {  	_ =	shalt  }
0x86: {  	_ =	shalt  }
0x87: {  	_ =	shalt  }
.Lfunc_end0:
.L_simem_size_0:
called_computation.1_lowered:
.L_overlay_start_0:
0x88: {  	s2 =	sld [smem:$0x3FD9]  }
0x89: {  	s3 =	sld [smem:$0x3FFE];
	_ =	sdelay $0x1  }
0x8a: {  	s1 =	srdreg.scid  }
0x8b: {  	s0 =	sand.u32 $0x1, s1  }
0x8c: {  	s17 =	sshll.u32 s0, $0xA;
	s2 =	sadd.s32 s3, s2  }
0x8d: {  	s2 =	sadd.s32 s2, s17  }
0x8e: {  	[smem:$0x3FC5] =	sst s2  }
0x8f: {  	_ = 	snop  }
0x90: {  	(tm) =	ssettm $0x1  }
0x91: {  	s18 =	sld [smem:$0x3FFB];
	_ =	sdelay $0x3  }
0x92: {  	_ =	strace s18  }
0x93: {  	s2 =	sld [smem:$0x3FFC];
	_ =	sdelay $0x3  }
0x94: {  	_ =	strace s2  }
0x95: {  	s2 =	sld [smem:$0x3FFD];
	_ =	sdelay $0x3  }
0x96: {  	_ =	strace s2  }
0x97: {  	_ =	strace $0x8FFFFFFF  }
0x98: {  	s19 =	sld [smem:$0x3FDB];
	_ =	sdelay $0x1  }
0x99: {  	s20 =	simm.s32 $_scs_section_size  }
0x9a: {  	s4 =	simm.s32 $_size__tile_overlayer_lowered;
	s5 =	simm.s32 $_tile_overlayer_lowered  }
0x9b: {  	s6 =	simm.s32 $0x1BFF;
	s21 =	sshll.u32 s5, $0x1;
	s3 =	sadd.s32 s20, s19  }
0x9c: {  	s22 =	simm.s32 $0x0;
	s4 =	sshll.u32 s4, $0x1;
	s5 =	sadd.s32 s21, s3  }
0x9d: {  	[timem:s22], [sflag:s6] =	dma.local [hbm:s5], s4  }
0x9e: {  	_ =	swait.ge [sflag:s6], s4  }
0x9f: {  	s4 =	ssub.s32 $0x0, s4;
	[sflag:s6] =	ssyncset.done $0x0  }
0xa0: {  	[sflag:s6] =	ssyncadd.s32 s4;
	_ =	sdelay $0x1  }
0xa1: {  	s23 =	simm.s32 $0x1B8B  }
0xa2: {  	_ =	swait.ge [sflag:s23], $0x1  }
0xa3: {  	[sflag:s23] =	ssyncset.done $0x0  }
0xa4: {  	[sflag:s23] =	ssyncadd.s32 $0xFFFFFFFF  }
0xa5: {  	s4 =	sld [smem:$0x0]  }
0xa6: {  	s5 =	sand.u32 $0xFFFFFFFE, s1  }
0xa7: {  	p0 =	sne.s32 s1, s5  }
0xa8: {  	s5 =	sshll.u32 @p0 s5, $0xE  }
0xa9: {  	s5 =	sadd.s32 @p0 $0x11B8D, s5;
	s6 =	sshll.u32 @p0 s4, $0x11  }
0xaa: {  	s5 =	sor.u32 @p0 s6, s5  }
0xab: {  	[sflag:s5] =	ssyncadd.remote.s32 @p0 $0x1;
	_ =	sdelay $0x1  }
0xac: {  	s5 =	simm.s32 @p0 $0x1B8D  }
0xad: {  	_ =	swait.eq @p0 [sflag:s5], $0x1  }
0xae: {  	[sflag:s5] =	ssyncadd.s32 @p0 $0xFFFFFFFF  }
0xaf: {  	s6 =	sshll.u32 @!p0 s1, $0xE  }
0xb0: {  	s6 =	sor.u32 @!p0 $0x4000, s6;
	s5 =	simm.s32 @!p0 $0x1B8D  }
0xb1: {  	s4 =	sshll.u32 @!p0 s4, $0x11;
	s6 =	sadd.s32 @!p0 $0x11B8D, s6;
	_ =	swait.eq @!p0 [sflag:s5], $0x1  }
0xb2: {  	s4 =	sor.u32 @!p0 s4, s6;
	[sflag:s5] =	ssyncadd.s32 @!p0 $0xFFFFFFFF  }
0xb3: {  	s25 =	simm.s32 $0x1B8E;
	s24 =	sld [smem:$0x3FFE];
	[sflag:s4] =	ssyncadd.remote.s32 @!p0 $0x1  }
0xb4: {  	s26 =	simm.s32 $execute0_lowered;
	[smem:$0x3FD2] =	sst s25  }
0xb5: {  	s5 =	sshll.u32 s26, $0x1;
	_ =	strace $0x80000049;
	[dreg:$0x1] =	wrdreg $0xFFFFFFFF  }
0xb6: {  	s28 =	simm.s32 $_size_execute0_lowered;
	s3 =	sadd.s32 s3, s5;
	[dreg:$0x0] =	wrdreg $0x0  }
0xb7: {  	s5 =	sshll.u32 s28, $0x1;
	[dreg:$0x2] =	wrdreg s3  }
0xb8: {  	[dreg:$0x3] =	wrdreg s5  }
0xb9: {  	[dreg:$0x4] =	wrdreg $0xC0  }
0xba: {  	_ =	task [dreg:s22], $0x5FFFF  }
0xbb: {  	[dreg:$0x1] =	wrdreg $0xFFFFFFFF  }
0xbc: {  	[dreg:$0x0] =	wrdreg $0x60  }
0xbd: {  	[dreg:$0x2] =	wrdreg s24  }
0xbe: {  	[dreg:$0x3] =	wrdreg $0xA  }
0xbf: {  	_ =	task.clear_ibuf [dreg:s22], $0x4FFFF;
	_ =	strace $0x90000049  }
0xc0: {  	s29 =	simm.s32 $0xA;
	_ =	strace $0x8000004B  }
0xc1: {  	_ =	swait.ge [sflag:s29], $0x1  }
0xc2: {  	[sflag:s29] =	ssyncadd.s32 $0xFFFFFFFF  }
0xc3: {  	_ =	strace $0x9000004B  }
0xc4: {  	_ =	sfence  }
0xc5: {  	s30 =	sld [smem:$0x0];
	_ =	sdelay $0x2  }
0xc6: {  	s31 =	sshll.u32 s1, $0xD;
	s1 =	sshrl.u32 s1, $0x2  }
0xc7: {  	s4 =	sand.u32 $0x4000, s31;
	s1 =	sadd.s32 s1, s30  }
0xc8: {  	s0 =	sor.u32 s4, s0;
	s1 =	sshll.u32 s1, $0x11  }
0xc9: {  	s0 =	sor.u32 s1, s0  }
0xca: {  	s0 =	sadd.s32 $0x8F2B, s0  }
0xcb: {  	[sflag:s0] =	ssyncadd.remote.s32 $0x1  }
0xcc: {  	_ =	sfence.sel $0xFFFF  }
0xcd: {  	[dreg:$0x0] =	wrdreg $0xFFFFFFFF;
	(pc) =	sbr.abs _section_cstart, $3  }
0xce: {  	[dreg:$0x1] =	wrdreg $0xFFFFFFFF  }
0xcf: {  	_ =	task.clear_ibuf [dreg:s22], $0x2FFFF;
	_ =	strace $0x9FFFFFFF  }
0xd0: {  	(tm) =	ssettm $0x7FFFFFFF  }
0xd1: {  	_ =	shalt  }
tec
execute0_lowered:
.L_overlay_start_1:
0x0: {  	(tag) =	ssettag $0x1  }
0x1: {  	s7 =	rddreg [dreg:$0x0]  }
0x2: {  	s0 =	rddreg [dreg:$0x1];
	_ =	strace $0x8000004A  }
0x3: {  	s1 =	srdreg.scid;
	s4 =	simm.s32 $0x1;
	s9 =	simm.s32 $0x3  }
0x4: {  	s12 =	simm.s32 $0x0;
	s10 =	simm.s32 $0x0;
	s5 =	sshll.u32 s1, $0x4  }
.Ltmp0:
0x5: {  	s1 =	stileid.u32;
	s5 =	sand.u32 $0x10, s5;
	(pc) =	sbr.rel .LBB2_1-.Ltmp0, $4  }
0x6: {  	s2 =	sadd.s32 $0x40200, s7;
	s3 =	sadd.s32 $0x40000, s7;
	s6 =	sor.u32 s1, s5  }
0x7: {  	[sflag:s4] =	ssyncpa.u1 $0x0;
	s5 =	simm.s32 $0x2;
	s6 =	sshll.u32 s6, $0x7  }
0x8: {  	s7 =	sadd.s32 $0xA0200, s7;
	[sflag:s5] =	ssyncpa.u1 $0x0;
	s8 =	sadd.s32 $0x80, s6  }
0x9: {  	v0 =	vimm.s32 $0x0;
	vm0 =	vmmov $0xff;
	vm1 =	vcmask $0x3F20;
	[sflag:s9] =	ssyncpa.u1 $0x0;
	s9 =	simm.s32 $0x80;
	s11 =	smov.u32 s6  }
.LBB2_9:
0xa: {  	p0 =	seq.s32 s10, $0x2  }
.Ltmp1:
0xb: {  	_ = 	snop;
	(pc) =	sbr.rel @p0 .LBB2_11-.Ltmp1, $1  }
0xc: {  	_ =	sdelay $0x3  }
.LBB2_10:
0xd: {  	s12 =	sadd.s32 $0x80, s11  }
0xe: {  	s13 =	smov.u32 s6;
	p0 =	slt.s32 s12, s8  }
0xf: {  	s13 =	smov.u32 @p0 s12  }
0x10: {  	s10 =	sadd.s32 $0x1, s10;
	s12 =	smov.u32 s11;
	s11 =	smov.u32 s13  }
.LBB2_1:
0x11: {  	p0 =	sne.s32 s10, $0x0  }
.Ltmp2:
0x12: {  	_ = 	snop;
	(pc) =	sbr.rel @!p0 .LBB2_2-.Ltmp2, $1  }
0x13: {  	_ =	sdelay $0x3  }
0x14: {  	s13 =	sand.u32 $0x1, s10  }
0x15: {  	p0 =	seq.s32 s13, $0x0  }
.Ltmp3:
0x16: {  	_ = 	snop;
	(pc) =	sbr.rel @p0 .LBB2_9-.Ltmp3, $1  }
0x17: {  	_ =	sdelay $0x3  }
0x18: {  	_ =	swait.ge [sflag:s5], $0x80  }
0x19: {  	[sflag:s5] =	ssyncset.done $0x0  }
0x1a: {  	s13 =	simm.s32 $0x0;
	[sflag:s5] =	ssyncadd.s32 $0xFFFFFF80  }
0x1b: {  	v1 =	vld.msk [tilespmem:s13+$0x80 ss:$0x1], $0xffff;
	_ =	sdelay $0x4  }
0x1c: {  	v2 =	vand.u32 $0x1, v1;
	v3 =	vshll.u32 v1, $0x6  }
0x1d: {  	vm2 =	veq.s32 v1, $0x80000000;
	vm3 =	veq.s32 v2, $0x1;
	v1 =	vand.u32 $0x1FFF80, v3  }
0x1e: {  	v2 =	vsel vm3, $0x180000, v0;
	v1 =	vsel vm2, $0xFFFFFF80, v1  }
0x1f: {  	v2 =	vsel vm2, $0xFFE80000, v2;
	v3 =	vand.u32 $0xFFFFFC00, v1  }
0x20: {  	v1 =	vand.u32 $0x380, v1;
	v2 =	vadd.s32 v2, v3  }
0x21: {  	v1 =	vor.u32 v1, v2  }
0x22: {  	v1 =	vshrl.u32 v1, $0x3;
	_ =	sdelay $0x3  }
0x23: {  	s13 =	simm.s32 $0x4100  }
0x24: {  	[tilespmem:s13], [sflag:$0x1] =	stream.indirect_vreg.gather [hbm:s2], $0x80, v1, vm0, $0x38;
	[tilespmem:$0x8100] =	vst v63  }
0x25: {  	s14 =	simm.s32 $0x4500;
	s31 =	simm.s32 $0x10  }
0x26: {  	[tilespmem:s14], [sflag:$0x1] =	stream.indirect_vreg.gather [hbm:s2], $0x80, v1, vm1, $0x38;
	[tilespmem:$0x8100] =	vst v63  }
0x27: {  	s14 =	simm.s32 $0x80;
	v1 =	vld.msk [tilespmem:s31+$0x80 ss:$0x1], $0xffff  }
.LBB2_5:
0x28: {  	p0 =	sne.s32 s14, $0x1C0;
	_ =	sdelay $0x4  }
0x29: {  	v2 =	vand.u32 $0x1, v1;
	v3 =	vshll.u32 v1, $0x6  }
0x2a: {  	vm2 =	veq.s32 v1, $0x80000000;
	vm3 =	veq.s32 v2, $0x1;
	v1 =	vand.u32 $0x1FFF80, v3  }
0x2b: {  	v2 =	vsel vm3, $0x180000, v0;
	v1 =	vsel vm2, $0xFFFFFF80, v1  }
0x2c: {  	v2 =	vsel vm2, $0xFFE80000, v2;
	v3 =	vand.u32 $0xFFFFFC00, v1  }
0x2d: {  	v1 =	vand.u32 $0x380, v1;
	v2 =	vadd.s32 v2, v3  }
0x2e: {  	v1 =	vor.u32 v1, v2  }
0x2f: {  	v1 =	vshrl.u32 v1, $0x3;
	_ =	sdelay $0x3  }
.Ltmp4:
0x30: {  	s13 =	sadd.s32 $0x800, s13;
	(pc) =	sbr.rel @p0 .LBB2_5-.Ltmp4, $4  }
0x31: {  	[tilespmem:s13], [sflag:$0x1] =	stream.indirect_vreg.gather [hbm:s2], $0x80, v1, vm0, $0x38;
	[tilespmem:$0x8100] =	vst v63  }
0x32: {  	s15 =	sshra.s32 s14, $0x2;
	s16 =	sadd.s32 $0x400, s13  }
0x33: {  	[tilespmem:s16], [sflag:$0x1] =	stream.indirect_vreg.gather [hbm:s2], $0x80, v1, vm1, $0x38;
	[tilespmem:$0x8100] =	vst v63  }
0x34: {  	s14 =	sadd.s32 $0x40, s14;
	v1 =	vld.msk [tilespmem:s15+$0x80 ss:$0x1], $0xffff  }
0x35: {  	_ =	sdelay $0x3  }
0x36: {  	v2 =	vand.u32 $0x1, v1;
	v3 =	vshll.u32 v1, $0x6  }
0x37: {  	vm2 =	veq.s32 v1, $0x80000000;
	vm3 =	veq.s32 v2, $0x1;
	v1 =	vand.u32 $0x1FFF80, v3  }
0x38: {  	v2 =	vsel vm3, $0x180000, v0;
	v1 =	vsel vm2, $0xFFFFFF80, v1  }
0x39: {  	v2 =	vsel vm2, $0xFFE80000, v2;
	v3 =	vand.u32 $0xFFFFFC00, v1  }
0x3a: {  	v1 =	vand.u32 $0x380, v1;
	v2 =	vadd.s32 v2, v3  }
0x3b: {  	v1 =	vor.u32 v1, v2  }
0x3c: {  	v1 =	vshrl.u32 v1, $0x3;
	_ =	sdelay $0x3  }
0x3d: {  	s13 =	sadd.s32 $0x800, s13  }
0x3e: {  	[tilespmem:s13], [sflag:$0x1] =	stream.indirect_vreg.gather [hbm:s2], $0x80, v1, vm0, $0x38;
	[tilespmem:$0x8100] =	vst v63  }
0x3f: {  	s13 =	sadd.s32 $0x400, s13  }
0x40: {  	[tilespmem:s13], [sflag:$0x1] =	stream.indirect_vreg.gather [hbm:s2], $0x80, v1, vm1, $0x38;
	[tilespmem:$0x8100] =	vst v63  }
0x41: {  	s12 =	sshll.u32 s12, $0x4;
	s14 =	simm.s32 $0x80;
	_ =	swait.ge [sflag:s4], $0x4000  }
0x42: {  	s15 =	simm.s32 $0x4500;
	s12 =	sadd.s32 s12, s7;
	[sflag:s4] =	ssyncset.done $0x0  }
0x43: {  	s16 =	sadd.s32 $0x0, s12;
	s13 =	simm.s32 $0x4100;
	[sflag:s4] =	ssyncadd.s32 $0xFFFFC000  }
.LBB2_7:
0x44: {  	[hbm:s16] =	stream.linear.scatter [tilespmem:s13], [sflag:$0x3], $0x400, $0x38;
	[tilespmem:$0x8100] =	vst v63  }
0x45: {  	s16 =	smov.u32 s14;
	s13 =	smov.u32 s15;
	p0 =	sne.s32 s14, $0x780  }
.Ltmp5:
0x46: {  	s14 =	sadd.s32 $0x80, s14;
	(pc) =	sbr.rel @p0 .LBB2_7-.Ltmp5, $2  }
0x47: {  	_ =	sdelay $0x2  }
0x48: {  	s15 =	sadd.s32 $0x400, s15;
	s16 =	sadd.s32 s16, s12  }
.Ltmp6:
0x49: {  	(pc) =	sbr.rel .LBB2_9-.Ltmp6, $2  }
0x4a: {  	_ =	sdelay $0x2  }
0x4b: {  	[hbm:s16] =	stream.linear.scatter [tilespmem:s13], [sflag:$0x3], $0x400, $0x38;
	[tilespmem:$0x8100] =	vst v63  }
.LBB2_2:
.Ltmp7:
0x4c: {  	(pc) =	sbr.rel .LBB2_10-.Ltmp7, $4  }
0x4d: {  	_ = 	snop  }
0x4e: {  	s12 =	sshrl.u32 s11, $0x3  }
0x4f: {  	s13 =	sand.u32 $0x7, s11;
	s12 =	sadd.s32 s3, s12  }
0x50: {  	[tilespmem:s9], [sflag:$0x2] =	stream.linear.gather [hbm4b:s12+s13], $0x80, $0x38;
	[tilespmem:$0x8100] =	vst v63  }
.LBB2_11:
0x51: {  	s2 =	simm.s32 $0x3  }
0x52: {  	_ =	swait.ge [sflag:s2], $0x4000  }
0x53: {  	[sflag:s2] =	ssyncset.done $0x0  }
0x54: {  	[sflag:s2] =	ssyncadd.s32 $0xFFFFC000  }
0x55: {  	_ =	sfence.sel $0x180000  }
0x56: {  	s3 =	simm.s32 $0x2;
	[bflag:$0x0] =	sbarrier.arrive $0xFFFF  }
0x57: {  	[sflag:s3] =	ssyncpa.u1 $0x1  }
0x58: {  	s31 =	simm.s32 $0x1;
	[sflag:s2] =	ssyncpa.u1 $0x1  }
0x59: {  	[sflag:s31] =	ssyncpa.u1 $0x1  }
0x5a: {  	p0 =	sne.s32 s1, $0x0;
	_ =	strace $0x9000004A  }
0x5b: {  	s0 =	sadd.s32 @!p0 $0x100000, s0;
	[bflag:$0x2] =	sbarrier.arrive $0xFFFF  }
0x5c: {  	[sflag:s0] =	ssyncadd.tile.s32 @!p0 $0x1;
	_ =	shalt  }
.Lfunc_end2:
_tile_overlayer_lowered:
.L_overlay_start_2:
0x5d: {  	(tag) =	ssettag $0x2  }
0x5e: {  	s0 =	rddreg [dreg:$0x0];
	s2 =	stileid.u32  }
0x5f: {  	s1 =	rddreg [dreg:$0x1];
	p0 =	sne.s32 s2, $0x0  }
0x60: {  	s3 =	rddreg [dreg:$0x2];
	[bflag:$0x3] =	sbarrier.arrive $0xFFFF;
	s2 =	simm.s32 @!p0 $0x1C01  }
0x61: {  	[timem:s3], [sflag:s2] =	dma.local @!p0 [hbm:s0], s1  }
0x62: {  	s0 =	simm.s32 @!p0 $0x1  }
0x63: {  	_ =	swait.ge @!p0 [sflag:s0], s1  }
0x64: {  	s1 =	ssub.s32 @!p0 $0x0, s1;
	[sflag:s0] =	ssyncset.done @!p0 $0x0  }
0x65: {  	[sflag:s0] =	ssyncadd.s32 @!p0 s1  }
0x66: {  	[bflag:$0x3] =	sbarrier.arrive $0xFFFF  }
0x67: {  	_ =	shalt  }

// kernel: gather_offload_async_start
scs
__scs_entry_jumppad:
0x0: {  	(pc) =	sbr.rel $0x88, $3  }
0x1: {  	(tag) =	ssettag $0x0;
	lr =	simm.s32 $0x1  }
0x2: {  	[smem:$0x3F9E] =	sst lr;
	_ =	strace $0xD0000000  }
0x3: {  	_ = 	snop  }
0x4: {  	_ = 	snop  }
0x5: {  	_ = 	snop  }
0x6: {  	_ = 	snop  }
0x7: {  	_ = 	snop  }
__scs_overlays_trampoline_lowered:
0x8: {  	[smem:$0x3FAD] =	sst s0  }
0x9: {  	[smem:$0x3FAE] =	sst s1  }
0xa: {  	[smem:$0x3FAF] =	sst s2  }
0xb: {  	[smem:$0x3FB0] =	sst s3  }
0xc: {  	[smem:$0x3FB1] =	sst s4  }
0xd: {  	[smem:$0x3FB2] =	sst s5  }
0xe: {  	[smem:$0x3FB3] =	sst s6  }
0xf: {  	[smem:$0x3FB4] =	sst s7  }
0x10: {  	[smem:$0x3FB5] =	sst s8  }
0x11: {  	[smem:$0x3FB6] =	sst s9;
	s0 =	simm.s32 @!p0 $0x0  }
0x12: {  	s1 =	sld [smem:$0x3F9C];
	s0 =	simm.s32 @p0 $0x1  }
0x13: {  	[smem:$0x3FB7] =	sst s0;
	s0 =	simm.s32 @!p1 $0x0  }
0x14: {  	s2 =	sld [smem:$0x3F9B];
	s0 =	simm.s32 @p1 $0x1  }
0x15: {  	[smem:$0x3FB8] =	sst s0;
	s0 =	simm.s32 @!p2 $0x0  }
0x16: {  	s3 =	sld [smem:$0x3FDB];
	s0 =	simm.s32 @p2 $0x1  }
0x17: {  	s4 =	simm.s32 $0x1BF5;
	[smem:$0x3FBA] =	sst s0  }
0x18: {  	s0 =	sld [smem:$0x3F9D];
	_ =	swait.ge [sflag:s4], $0x0  }
0x19: {  	s7 =	sld [smem:$0x3F9E]  }
0x1a: {  	s8 =	sadd.s32 $0xFFFFE003, lr  }
0x1b: {  	s9 =	sadd.s32 $0xFFFFFEF7, lr;
	s5 =	simm.s32 $0xFFFFFFFF;
	p2 =	slt.u32 s8, $0xFFFFF086  }
0x1c: {  	p1 =	slt.u32 s9, $0xF7A;
	s5 =	simm.s32 @!p2 $0x0  }
0x1d: {  	s5 =	simm.s32 @p1 $0x1;
	p0 =	seq.s32 s7, s2  }
0x1e: {  	s7 =	smul.u32 @!p0 $0xF7A, s2;
	p2 =	seq.s32 @!p0 s5, $0x0  }
0x1f: {  	s9 =	smul.u32 $0xF7A, s1;
	s8 =	simm.s32 @!p0 $0x1BF5;
	p2 =	por !p2, p0  }
0x20: {  	[sflag:s8] =	ssyncset.s32 @!p0 $0xFFFFF086;
	s6 =	sadd.s32 @!p0 s3, s7;
	s7 =	simm.s32 @!p0 $0x108  }
0x21: {  	s3 =	sadd.s32 s3, s9;
	s6 =	sadd.s32 @!p0 $0x88, s6;
	s7 =	simm.s32 @p2 $0x1082  }
0x22: {  	[simem:s7], [sflag:s8] =	dma.local @!p0 [hbm:s6], $0xF7A  }
0x23: {  	s9 =	sor.u32 $0xD0000000, s2;
	s6 =	simm.s32 $0x108;
	_ =	swait.ge @!p0 [sflag:s8], $0x0  }
0x24: {  	s3 =	sadd.s32 $0x88, s3;
	s6 =	simm.s32 @!p1 $0x1082;
	[sflag:s4] =	ssyncset.s32 $0xFFFFF086  }
0x25: {  	[simem:s6], [sflag:s4] =	dma.local [hbm:s3], $0xF7A  }
0x26: {  	[smem:$0x3F9E] =	sst s1;
	(tag) =	ssettag s2;
	_ =	strace s9  }
0x27: {  	s1 =	sld [smem:$0x3FAE]  }
0x28: {  	s2 =	sld [smem:$0x3FAF]  }
0x29: {  	s4 =	sld [smem:$0x3FB1]  }
0x2a: {  	p0 =	seq.s32 s5, $0x0;
	s5 =	sld [smem:$0x3FB2]  }
0x2b: {  	s6 =	sld [smem:$0x3FB3]  }
0x2c: {  	s7 =	sld [smem:$0x3FB4]  }
0x2d: {  	s3 =	simm.s32 $0x108;
	s8 =	sld [smem:$0x3FB5]  }
0x2e: {  	s3 =	simm.s32 @!p0 $0x1082;
	s9 =	sld [smem:$0x3FB6]  }
0x2f: {  	lr =	sadd.s32 s0, s3;
	s0 =	sld [smem:$0x3FAD]  }
0x30: {  	s3 =	sld [smem:$0x3FB0]  }
0x31: {  	[smem:$0x3FB9] =	sst s10  }
0x32: {  	s10 =	sld [smem:$0x3FB7];
	_ =	sdelay $0x3  }
0x33: {  	p0 =	seq.s32 s10, $0x1;
	s10 =	sld [smem:$0x3FB9];
	_ =	sdelay $0x3  }
0x34: {  	[smem:$0x3FB9] =	sst s10  }
0x35: {  	s10 =	sld [smem:$0x3FB8];
	_ =	sdelay $0x3  }
0x36: {  	p1 =	seq.s32 s10, $0x1;
	s10 =	sld [smem:$0x3FB9];
	_ =	sdelay $0x3  }
0x37: {  	[smem:$0x3FB9] =	sst s10  }
0x38: {  	s10 =	sld [smem:$0x3FBA]  }
0x39: {  	_ = 	snop;
	(pc) =	sbr.ind lr, $3  }
0x3a: {  	_ = 	snop  }
0x3b: {  	_ = 	snop  }
0x3c: {  	p2 =	seq.s32 s10, $0x1;
	s10 =	sld [smem:$0x3FB9]  }
0x3d: {  	_ =	shalt  }
0x3e: {  	_ =	shalt  }
0x3f: {  	_ =	shalt  }
0x40: {  	_ =	shalt  }
0x41: {  	_ =	shalt  }
0x42: {  	_ =	shalt  }
0x43: {  	_ =	shalt  }
0x44: {  	_ =	shalt  }
0x45: {  	_ =	shalt  }
0x46: {  	_ =	shalt  }
0x47: {  	_ =	shalt  }
0x48: {  	_ =	shalt  }
0x49: {  	_ =	shalt  }
0x4a: {  	_ =	shalt  }
0x4b: {  	_ =	shalt  }
0x4c: {  	_ =	shalt  }
0x4d: {  	_ =	shalt  }
0x4e: {  	_ =	shalt  }
0x4f: {  	_ =	shalt  }
0x50: {  	_ =	shalt  }
0x51: {  	_ =	shalt  }
0x52: {  	_ =	shalt  }
0x53: {  	_ =	shalt  }
0x54: {  	_ =	shalt  }
0x55: {  	_ =	shalt  }
0x56: {  	_ =	shalt  }
0x57: {  	_ =	shalt  }
0x58: {  	_ =	shalt  }
0x59: {  	_ =	shalt  }
0x5a: {  	_ =	shalt  }
0x5b: {  	_ =	shalt  }
0x5c: {  	_ =	shalt  }
0x5d: {  	_ =	shalt  }
0x5e: {  	_ =	shalt  }
0x5f: {  	_ =	shalt  }
0x60: {  	_ =	shalt  }
0x61: {  	_ =	shalt  }
0x62: {  	_ =	shalt  }
0x63: {  	_ =	shalt  }
0x64: {  	_ =	shalt  }
0x65: {  	_ =	shalt  }
0x66: {  	_ =	shalt  }
0x67: {  	_ =	shalt  }
0x68: {  	_ =	shalt  }
0x69: {  	_ =	shalt  }
0x6a: {  	_ =	shalt  }
0x6b: {  	_ =	shalt  }
0x6c: {  	_ =	shalt  }
0x6d: {  	_ =	shalt  }
0x6e: {  	_ =	shalt  }
0x6f: {  	_ =	shalt  }
0x70: {  	_ =	shalt  }
0x71: {  	_ =	shalt  }
0x72: {  	_ =	shalt  }
0x73: {  	_ =	shalt  }
0x74: {  	_ =	shalt  }
0x75: {  	_ =	shalt  }
0x76: {  	_ =	shalt  }
0x77: {  	_ =	shalt  }
0x78: {  	_ =	shalt  }
0x79: {  	_ =	shalt  }
0x7a: {  	_ =	shalt  }
0x7b: {  	_ =	shalt  }
0x7c: {  	_ =	shalt  }
0x7d: {  	_ =	shalt  }
0x7e: {  	_ =	shalt  }
0x7f: {  	_ =	shalt  }
0x80: {  	_ =	shalt  }
0x81: {  	_ =	shalt  }
0x82: {  	_ =	shalt  }
0x83: {  	_ =	shalt  }
0x84: {  	_ =	shalt  }
0x85: {  	_ =	shalt  }
0x86: {  	_ =	shalt  }
0x87: {  	_ =	shalt  }
.Lfunc_end0:
.L_simem_size_0:
called_computation_lowered:
.L_overlay_start_0:
0x88: {  	s2 =	sld [smem:$0x3FD9]  }
0x89: {  	s3 =	sld [smem:$0x3FFE];
	_ =	sdelay $0x1  }
0x8a: {  	s1 =	srdreg.scid  }
0x8b: {  	s0 =	sand.u32 $0x1, s1  }
0x8c: {  	s14 =	sshll.u32 s0, $0xA;
	s2 =	sadd.s32 s3, s2  }
0x8d: {  	s2 =	sadd.s32 s2, s14  }
0x8e: {  	[smem:$0x3FC5] =	sst s2  }
0x8f: {  	_ = 	snop  }
0x90: {  	s2 =	sld [smem:$0x3FD0];
	_ =	sdelay $0x2  }
0x91: {  	s15 =	simm.s32 $0xB;
	s4 =	simm.s32 $0x10  }
0x92: {  	[smem:s4], [sflag:s15] =	dma.local [hbm:s2], $0x1  }
0x93: {  	_ =	swait.eq [sflag:s15], $0x1  }
0x94: {  	[sflag:s15] =	ssyncset.done $0x0  }
0x95: {  	[sflag:s15] =	ssyncadd.s32 $0xFFFFFFFF  }
0x96: {  	s16 =	sld [smem:$0x10];
	(tm) =	ssettm $0x1  }
0x97: {  	s17 =	sld [smem:$0x3FFB];
	_ =	sdelay $0x3  }
0x98: {  	_ =	strace s17  }
0x99: {  	s3 =	sld [smem:$0x3FFC];
	_ =	sdelay $0x3  }
0x9a: {  	_ =	strace s3  }
0x9b: {  	s3 =	sld [smem:$0x3FFD];
	_ =	sdelay $0x3  }
0x9c: {  	_ =	strace s3  }
0x9d: {  	_ =	strace $0x8FFFFFFF  }
0x9e: {  	s18 =	sld [smem:$0x3FDB];
	_ =	sdelay $0x1  }
0x9f: {  	s19 =	simm.s32 $_scs_section_size  }
0xa0: {  	s5 =	simm.s32 $_size__tile_overlayer_lowered;
	s6 =	simm.s32 $_tile_overlayer_lowered  }
0xa1: {  	s22 =	simm.s32 $0x1BFF;
	s21 =	sshll.u32 s6, $0x1;
	s3 =	sadd.s32 s19, s18  }
0xa2: {  	s7 =	simm.s32 $0x0;
	s20 =	sshll.u32 s5, $0x1;
	s5 =	sadd.s32 s21, s3  }
0xa3: {  	[timem:s7], [sflag:s22] =	dma.local [hbm:s5], s20  }
0xa4: {  	_ =	swait.ge [sflag:s22], s20  }
0xa5: {  	s4 =	ssub.s32 $0x0, s20;
	[sflag:s22] =	ssyncset.done $0x0  }
0xa6: {  	[sflag:s22] =	ssyncadd.s32 s4;
	_ =	sdelay $0x1  }
0xa7: {  	s23 =	simm.s32 $0x1B8B  }
0xa8: {  	_ =	swait.ge [sflag:s23], $0x1  }
0xa9: {  	[sflag:s23] =	ssyncset.done $0x0  }
0xaa: {  	s25 =	simm.s32 $0x1B8E;
	s24 =	sld [smem:$0x3FFE];
	[sflag:s23] =	ssyncadd.s32 $0xFFFFFFFF  }
0xab: {  	s26 =	simm.s32 $execute0_lowered;
	[smem:$0x3FD2] =	sst s25  }
0xac: {  	s5 =	sshll.u32 s26, $0x1;
	_ =	strace $0x80000046;
	[dreg:$0x1] =	wrdreg $0xFFFFFFFF  }
0xad: {  	s28 =	simm.s32 $_size_execute0_lowered;
	s3 =	sadd.s32 s3, s5;
	[dreg:$0x0] =	wrdreg $0x0  }
0xae: {  	s5 =	sshll.u32 s28, $0x1;
	[dreg:$0x2] =	wrdreg s3  }
0xaf: {  	[dreg:$0x3] =	wrdreg s5  }
0xb0: {  	[dreg:$0x4] =	wrdreg $0xC0  }
0xb1: {  	_ =	task [dreg:s7], $0x5FFFF  }
0xb2: {  	[dreg:$0x1] =	wrdreg $0xFFFFFFFF  }
0xb3: {  	[dreg:$0x0] =	wrdreg $0x60  }
0xb4: {  	[dreg:$0x2] =	wrdreg s24  }
0xb5: {  	[dreg:$0x3] =	wrdreg s16  }
0xb6: {  	[dreg:$0x4] =	wrdreg $0x9  }
0xb7: {  	_ =	task.clear_ibuf [dreg:s7], $0x5FFFF;
	_ =	strace $0x90000046  }
0xb8: {  	s29 =	simm.s32 $0x9;
	_ =	strace $0x80000048  }
0xb9: {  	_ =	swait.ge [sflag:s29], $0x1  }
0xba: {  	[sflag:s29] =	ssyncadd.s32 $0xFFFFFFFF  }
0xbb: {  	_ =	strace $0x90000048  }
0xbc: {  	_ =	sfence  }
0xbd: {  	s30 =	sld [smem:$0x0];
	_ =	sdelay $0x2  }
0xbe: {  	s31 =	sshll.u32 s1, $0xD;
	s1 =	sshrl.u32 s1, $0x2  }
0xbf: {  	s3 =	sand.u32 $0x4000, s31;
	s1 =	sadd.s32 s1, s30  }
0xc0: {  	s0 =	sor.u32 s3, s0;
	s1 =	sshll.u32 s1, $0x11  }
0xc1: {  	s0 =	sor.u32 s1, s0  }
0xc2: {  	s0 =	sadd.s32 $0x8F2B, s0  }
0xc3: {  	[sflag:s0] =	ssyncadd.remote.s32 $0x1  }
0xc4: {  	_ =	sfence.sel $0xFFFF  }
0xc5: {  	[dreg:$0x0] =	wrdreg $0xFFFFFFFF;
	(pc) =	sbr.abs _section_cstart, $3  }
0xc6: {  	[dreg:$0x1] =	wrdreg $0xFFFFFFFF  }
0xc7: {  	_ =	task.clear_ibuf [dreg:s7], $0x2FFFF;
	_ =	strace $0x9FFFFFFF  }
0xc8: {  	(tm) =	ssettm $0x7FFFFFFF  }
0xc9: {  	_ =	shalt  }
tec
execute0_lowered:
.L_overlay_start_1:
0x0: {  	(tag) =	ssettag $0x1  }
0x1: {  	s2 =	rddreg [dreg:$0x0]  }
0x2: {  	s3 =	rddreg [dreg:$0x1]  }
0x3: {  	s0 =	rddreg [dreg:$0x2];
	s1 =	srdreg.scid;
	_ =	strace $0x80000047  }
0x4: {  	s4 =	simm.s32 $0x1;
	s9 =	simm.s32 $0x3;
	s5 =	sshll.u32 s1, $0x4  }
.Ltmp0:
0x5: {  	s1 =	stileid.u32;
	s5 =	sand.u32 $0x10, s5;
	(pc) =	sbr.rel .LBB2_1-.Ltmp0, $4  }
0x6: {  	s12 =	simm.s32 $0x0;
	s10 =	simm.s32 $0x0;
	s6 =	sor.u32 s1, s5  }
0x7: {  	[sflag:s4] =	ssyncpa.u1 $0x0;
	s5 =	simm.s32 $0x2;
	s6 =	sshll.u32 s6, $0x7  }
0x8: {  	s7 =	sadd.s32 $0x30000, s2;
	[sflag:s5] =	ssyncpa.u1 $0x0;
	s8 =	sadd.s32 $0x80, s6  }
0x9: {  	vm0 =	vmmov $0xff;
	vm1 =	vcmask $0x3F20;
	[sflag:s9] =	ssyncpa.u1 $0x0;
	s9 =	simm.s32 $0x80;
	s11 =	smov.u32 s6  }
.LBB2_9:
0xa: {  	p0 =	seq.s32 s10, $0x2  }
.Ltmp1:
0xb: {  	_ = 	snop;
	(pc) =	sbr.rel @p0 .LBB2_11-.Ltmp1, $1  }
0xc: {  	_ =	sdelay $0x3  }
.LBB2_10:
0xd: {  	s12 =	sadd.s32 $0x80, s11  }
0xe: {  	s13 =	smov.u32 s6;
	p0 =	slt.s32 s12, s8  }
0xf: {  	s13 =	smov.u32 @p0 s12  }
0x10: {  	s10 =	sadd.s32 $0x1, s10;
	s12 =	smov.u32 s11;
	s11 =	smov.u32 s13  }
.LBB2_1:
0x11: {  	p0 =	sne.s32 s10, $0x0  }
.Ltmp2:
0x12: {  	_ = 	snop;
	(pc) =	sbr.rel @!p0 .LBB2_2-.Ltmp2, $1  }
0x13: {  	_ =	sdelay $0x3  }
0x14: {  	s13 =	sand.u32 $0x1, s10  }
0x15: {  	p0 =	seq.s32 s13, $0x0  }
.Ltmp3:
0x16: {  	_ = 	snop;
	(pc) =	sbr.rel @p0 .LBB2_9-.Ltmp3, $1  }
0x17: {  	_ =	sdelay $0x3  }
0x18: {  	_ =	swait.ge [sflag:s5], $0x80  }
0x19: {  	[sflag:s5] =	ssyncset.done $0x0  }
0x1a: {  	s13 =	simm.s32 $0x0;
	[sflag:s5] =	ssyncadd.s32 $0xFFFFFF80  }
0x1b: {  	v0 =	vld.msk [tilespmem:s13+$0x80 ss:$0x1], $0xffff;
	_ =	sdelay $0x4  }
0x1c: {  	vm2 =	vgt.s32 v0, $0x0  }
0x1d: {  	v0 =	vnsel vm2, $0x0, v0  }
0x1e: {  	v0 =	vmin.u32 v0, $0x2FFF  }
0x1f: {  	v0 =	vshll.u32 v0, $0x4;
	_ =	sdelay $0x3  }
0x20: {  	s13 =	simm.s32 $0x4100  }
0x21: {  	[tilespmem:s13], [sflag:$0x1] =	stream.indirect_vreg.gather [hbm:s2], $0x80, v0, vm0, $0x38;
	[tilespmem:$0x8100] =	vst v63  }
0x22: {  	s14 =	simm.s32 $0x4500;
	s31 =	simm.s32 $0x10  }
0x23: {  	[tilespmem:s14], [sflag:$0x1] =	stream.indirect_vreg.gather [hbm:s2], $0x80, v0, vm1, $0x38;
	[tilespmem:$0x8100] =	vst v63  }
0x24: {  	s14 =	simm.s32 $0x80;
	v0 =	vld.msk [tilespmem:s31+$0x80 ss:$0x1], $0xffff  }
.LBB2_5:
0x25: {  	p0 =	sne.s32 s14, $0x1C0;
	_ =	sdelay $0x4  }
0x26: {  	vm2 =	vgt.s32 v0, $0x0  }
0x27: {  	v0 =	vnsel vm2, $0x0, v0  }
0x28: {  	v0 =	vmin.u32 v0, $0x2FFF  }
0x29: {  	v0 =	vshll.u32 v0, $0x4;
	_ =	sdelay $0x3  }
.Ltmp4:
0x2a: {  	s13 =	sadd.s32 $0x800, s13;
	(pc) =	sbr.rel @p0 .LBB2_5-.Ltmp4, $4  }
0x2b: {  	[tilespmem:s13], [sflag:$0x1] =	stream.indirect_vreg.gather [hbm:s2], $0x80, v0, vm0, $0x38;
	[tilespmem:$0x8100] =	vst v63  }
0x2c: {  	s15 =	sshra.s32 s14, $0x2;
	s16 =	sadd.s32 $0x400, s13  }
0x2d: {  	[tilespmem:s16], [sflag:$0x1] =	stream.indirect_vreg.gather [hbm:s2], $0x80, v0, vm1, $0x38;
	[tilespmem:$0x8100] =	vst v63  }
0x2e: {  	s14 =	sadd.s32 $0x40, s14;
	v0 =	vld.msk [tilespmem:s15+$0x80 ss:$0x1], $0xffff  }
0x2f: {  	_ =	sdelay $0x3  }
0x30: {  	vm2 =	vgt.s32 v0, $0x0  }
0x31: {  	v0 =	vnsel vm2, $0x0, v0  }
0x32: {  	v0 =	vmin.u32 v0, $0x2FFF  }
0x33: {  	v0 =	vshll.u32 v0, $0x4;
	_ =	sdelay $0x3  }
0x34: {  	s13 =	sadd.s32 $0x800, s13  }
0x35: {  	[tilespmem:s13], [sflag:$0x1] =	stream.indirect_vreg.gather [hbm:s2], $0x80, v0, vm0, $0x38;
	[tilespmem:$0x8100] =	vst v63  }
0x36: {  	s13 =	sadd.s32 $0x400, s13  }
0x37: {  	[tilespmem:s13], [sflag:$0x1] =	stream.indirect_vreg.gather [hbm:s2], $0x80, v0, vm1, $0x38;
	[tilespmem:$0x8100] =	vst v63  }
0x38: {  	s12 =	sshll.u32 s12, $0x4;
	s14 =	simm.s32 $0x80;
	_ =	swait.ge [sflag:s4], $0x4000  }
0x39: {  	s15 =	simm.s32 $0x4500;
	s12 =	sadd.s32 s12, s7;
	[sflag:s4] =	ssyncset.done $0x0  }
0x3a: {  	s16 =	sadd.s32 $0x0, s12;
	s13 =	simm.s32 $0x4100;
	[sflag:s4] =	ssyncadd.s32 $0xFFFFC000  }
.LBB2_7:
0x3b: {  	[hbm:s16] =	stream.linear.scatter [tilespmem:s13], [sflag:$0x3], $0x400, $0x38;
	[tilespmem:$0x8100] =	vst v63  }
0x3c: {  	s16 =	smov.u32 s14;
	s13 =	smov.u32 s15;
	p0 =	sne.s32 s14, $0x780  }
.Ltmp5:
0x3d: {  	s14 =	sadd.s32 $0x80, s14;
	(pc) =	sbr.rel @p0 .LBB2_7-.Ltmp5, $2  }
0x3e: {  	_ =	sdelay $0x2  }
0x3f: {  	s15 =	sadd.s32 $0x400, s15;
	s16 =	sadd.s32 s16, s12  }
.Ltmp6:
0x40: {  	(pc) =	sbr.rel .LBB2_9-.Ltmp6, $2  }
0x41: {  	_ =	sdelay $0x2  }
0x42: {  	[hbm:s16] =	stream.linear.scatter [tilespmem:s13], [sflag:$0x3], $0x400, $0x38;
	[tilespmem:$0x8100] =	vst v63  }
.LBB2_2:
.Ltmp7:
0x43: {  	(pc) =	sbr.rel .LBB2_10-.Ltmp7, $4  }
0x44: {  	_ = 	snop  }
0x45: {  	s12 =	sshrl.u32 s11, $0x3  }
0x46: {  	s13 =	sand.u32 $0x7, s11;
	s12 =	sadd.s32 s3, s12  }
0x47: {  	[tilespmem:s9], [sflag:$0x2] =	stream.linear.gather [hbm4b:s12+s13], $0x80, $0x38;
	[tilespmem:$0x8100] =	vst v63  }
.LBB2_11:
0x48: {  	s2 =	simm.s32 $0x3  }
0x49: {  	_ =	swait.ge [sflag:s2], $0x4000  }
0x4a: {  	[sflag:s2] =	ssyncset.done $0x0  }
0x4b: {  	[sflag:s2] =	ssyncadd.s32 $0xFFFFC000  }
0x4c: {  	_ =	sfence.sel $0x180000  }
0x4d: {  	s3 =	simm.s32 $0x2;
	[bflag:$0x0] =	sbarrier.arrive $0xFFFF  }
0x4e: {  	[sflag:s3] =	ssyncpa.u1 $0x1  }
0x4f: {  	s31 =	simm.s32 $0x1;
	[sflag:s2] =	ssyncpa.u1 $0x1  }
0x50: {  	[sflag:s31] =	ssyncpa.u1 $0x1  }
0x51: {  	p0 =	sne.s32 s1, $0x0;
	_ =	strace $0x90000047  }
0x52: {  	s0 =	sadd.s32 @!p0 $0x100000, s0;
	[bflag:$0x2] =	sbarrier.arrive $0xFFFF  }
0x53: {  	[sflag:s0] =	ssyncadd.tile.s32 @!p0 $0x1;
	_ =	shalt  }
.Lfunc_end2:
_tile_overlayer_lowered:
.L_overlay_start_2:
0x54: {  	(tag) =	ssettag $0x2  }
0x55: {  	s0 =	rddreg [dreg:$0x0];
	s2 =	stileid.u32  }
0x56: {  	s1 =	rddreg [dreg:$0x1];
	p0 =	sne.s32 s2, $0x0  }
0x57: {  	s3 =	rddreg [dreg:$0x2];
	[bflag:$0x3] =	sbarrier.arrive $0xFFFF;
	s2 =	simm.s32 @!p0 $0x1C01  }
0x58: {  	[timem:s3], [sflag:s2] =	dma.local @!p0 [hbm:s0], s1  }
0x59: {  	s0 =	simm.s32 @!p0 $0x1  }
0x5a: {  	_ =	swait.ge @!p0 [sflag:s0], s1  }
0x5b: {  	s1 =	ssub.s32 @!p0 $0x0, s1;
	[sflag:s0] =	ssyncset.done @!p0 $0x0  }
0x5c: {  	[sflag:s0] =	ssyncadd.s32 @!p0 s1  }
0x5d: {  	[bflag:$0x3] =	sbarrier.arrive $0xFFFF  }
0x5e: {  	_ =	shalt  }

</sc_bundles>
